<compile_context>
chip_gen: v7x
topology: tpu7x:2x2x1
jax: 0.10.2.dev20260603
libtpu: 0.0.44.dev20260713+nightly
codegen_flags: <defaults>
</compile_context>

<pallas_src>
import functools

import jax
import jax.numpy as jnp
from jax import lax
from jax.experimental import pallas as pl
from jax.experimental.pallas import tpu as pltpu
from jax.experimental.pallas import tpu_sc as plsc

B = 1024
S = 200
HIDDEN = 128
EPS = 1e-12

N_TOK = B * S
NC, NS = 2, 16
NW = NC * NS
IDS_COLS = 128
IDS_ROWS = N_TOK // IDS_COLS
CHUNK_ROWS = 5
CHUNK_TOK = CHUNK_ROWS * IDS_COLS
SLAB_TOKS = (102400, 102400)
N_SLAB = len(SLAB_TOKS)


def _sc_gather(table, ids3, slab_tok):
    n_chunks = slab_tok // CHUNK_TOK
    n_iters = (n_chunks + NW - 1) // NW
    mesh = plsc.VectorSubcoreMesh(core_axis_name="c", subcore_axis_name="s")

    @functools.partial(
        pl.kernel,
        mesh=mesh,
        out_type=jax.ShapeDtypeStruct((slab_tok, HIDDEN), jnp.float32),
        scratch_types=[
            pltpu.VMEM((CHUNK_ROWS, IDS_COLS), jnp.int32),
            pltpu.VMEM((CHUNK_TOK, HIDDEN), jnp.float32),
            pltpu.SemaphoreType.DMA,
        ],
    )
    def gather_kernel(table_hbm, ids_hbm, out_hbm, idx_v, rows_v, sem):
        wid = lax.axis_index("s") * NC + lax.axis_index("c")

        def body(i, carry):
            c = wid + i * NW

            @pl.when(c < n_chunks)
            def _():
                pltpu.sync_copy(ids_hbm.at[c], idx_v)
                handles = []
                for j in range(CHUNK_ROWS):
                    handles.append(pltpu.async_copy(
                        table_hbm.at[idx_v.at[j]],
                        rows_v.at[pl.ds(j * IDS_COLS, IDS_COLS)],
                        sem))
                for h in handles:
                    h.wait()
                pltpu.sync_copy(
                    rows_v, out_hbm.at[pl.ds(c * CHUNK_TOK, CHUNK_TOK)])

            return carry

        lax.fori_loop(0, n_iters, body, 0)

    return gather_kernel(table, ids3)


TOK_BLK = 6400
TT_ROWS = TOK_BLK // 128


def _ln_body(g_ref, tt_ref, pos_ref, type_ref, gam_ref, bet_ref, o_ref):
    x = g_ref[...] + pos_ref[...]
    t0 = type_ref[0:1, :]
    dt = type_ref[1:2, :] - t0
    t2t = jnp.transpose(tt_ref[0])
    term = jnp.concatenate(
        [t2t[:, r:r + 1] * dt for r in range(TT_ROWS)], axis=0)
    x = x + t0 + term
    inv_h = jnp.float32(1.0 / HIDDEN)
    mean = jnp.sum(x, axis=1, keepdims=True) * inv_h
    ex2 = jnp.sum(x * x, axis=1, keepdims=True) * inv_h
    var = ex2 - mean * mean
    inv_std = lax.rsqrt(var + EPS)
    a = inv_std * gam_ref[...]
    o_ref[...] = (x - mean) * a + bet_ref[...]


def _ln_body_alias(g_ref, tt_ref, pos_ref, type_ref, gam_ref, bet_ref,
                   prev_ref, o_ref):
    _ln_body(g_ref, tt_ref, pos_ref, type_ref, gam_ref, bet_ref, o_ref)


def _tc_add_ln(blk_base, gathered, tt_packed, pos_tile, W_type, gamma, beta,
               prev_out):
    n_blk = gathered.shape[0] // TOK_BLK
    in_specs = [
        pl.BlockSpec((TOK_BLK, HIDDEN), lambda i: (i, 0)),
        pl.BlockSpec((1, TT_ROWS, 128), lambda i, b=blk_base: (b + i, 0, 0)),
        pl.BlockSpec((TOK_BLK, HIDDEN), lambda i: (0, 0)),
        pl.BlockSpec((2, HIDDEN), lambda i: (0, 0)),
        pl.BlockSpec((1, HIDDEN), lambda i: (0, 0)),
        pl.BlockSpec((1, HIDDEN), lambda i: (0, 0)),
    ]
    args = [gathered, tt_packed, pos_tile, W_type, gamma, beta]
    kwargs = {}
    body = _ln_body
    if prev_out is not None:
        in_specs.append(pl.BlockSpec(memory_space=pl.ANY))
        args.append(prev_out)
        kwargs["input_output_aliases"] = {6: 0}
        body = _ln_body_alias
    return pl.pallas_call(
        body,
        grid=(n_blk,),
        in_specs=in_specs,
        out_specs=pl.BlockSpec((TOK_BLK, HIDDEN),
                               lambda i, b=blk_base: (b + i, 0)),
        out_shape=jax.ShapeDtypeStruct((N_TOK, HIDDEN), jnp.float32),
        **kwargs,
    )(*args)


def kernel(input_ids, token_type_ids, W_word, W_pos, W_type, gamma, beta):
    ids = input_ids.astype(jnp.int32).reshape(-1)
    tt_packed = token_type_ids.astype(jnp.float32).reshape(
        N_TOK // TOK_BLK, TT_ROWS, 128)
    pos_tile = jnp.tile(W_pos[:S], (TOK_BLK // S, 1))
    gam = gamma.reshape(1, HIDDEN)
    bet = beta.reshape(1, HIDDEN)

    slabs = []
    tok0 = 0
    for st in SLAB_TOKS:
        ids3 = ids[tok0:tok0 + st].reshape(st // CHUNK_TOK, CHUNK_ROWS,
                                           IDS_COLS)
        slabs.append(_sc_gather(W_word, ids3, st))
        tok0 += st

    out = None
    tok0 = 0
    for s, st in enumerate(SLAB_TOKS):
        out = _tc_add_ln(tok0 // TOK_BLK, slabs[s], tt_packed, pos_tile,
                         W_type, gam, bet, out)
        tok0 += st
    return out.reshape(B, S, HIDDEN)

# --- scband reference (transcript-rebuilt; emitter-appended) ---
"""Pipeline reference for scband-bert-embeddings-1211180778174 (READ-ONLY COPY).

The authoritative reference and input builder live on the scoring server;
editing this copy changes nothing except your own understanding.
"""

import jax, jax.numpy as jnp
import numpy as np

VOCAB = 100000
HIDDEN = 128
MAX_POS = 512
TYPE_VOCAB = 2
B = 1024
S = 200
EPS = 1e-12


def setup_inputs(seed: int = 0) -> dict:
    key = jax.random.key(seed)
    k1, k2, k3, k4, k5 = jax.random.split(key, 5)
    input_ids = jax.random.randint(k1, (B, S), 0, VOCAB, dtype=jnp.int64) if jax.config.jax_enable_x64 else jax.random.randint(k1, (B, S), 0, VOCAB, dtype=jnp.int32)
    token_type_ids = jax.random.randint(k2, (B, S), 0, TYPE_VOCAB, dtype=input_ids.dtype)
    W_word = jax.random.normal(k3, (VOCAB, HIDDEN), dtype=jnp.float32) * 0.02
    W_word = W_word.at[0].set(0.0)  # padding_idx=0
    W_pos = jax.random.normal(k4, (MAX_POS, HIDDEN), dtype=jnp.float32) * 0.02
    W_type = jax.random.normal(k5, (TYPE_VOCAB, HIDDEN), dtype=jnp.float32) * 0.02
    gamma = jnp.ones((HIDDEN,), dtype=jnp.float32)
    beta = jnp.zeros((HIDDEN,), dtype=jnp.float32)
    return {"input_ids": input_ids, "token_type_ids": token_type_ids,
            "W_word": W_word, "W_pos": W_pos, "W_type": W_type,
            "gamma": gamma, "beta": beta}


def _layer_norm(x, gamma, beta, eps=EPS):
    mean = jnp.mean(x, axis=-1, keepdims=True)
    var = jnp.mean(jnp.square(x - mean), axis=-1, keepdims=True)
    xhat = (x - mean) / jnp.sqrt(var + eps)
    return xhat * gamma + beta


def reference(input_ids, token_type_ids, W_word, W_pos, W_type, gamma, beta):
    seq_length = input_ids.shape[1]
    position_ids = jnp.arange(seq_length, dtype=input_ids.dtype)
    position_ids = jnp.broadcast_to(position_ids[None, :], input_ids.shape)
    words_embeddings = jnp.take(W_word, input_ids, axis=0)
    position_embeddings = jnp.take(W_pos, position_ids, axis=0)
    token_type_embeddings = jnp.take(W_type, token_type_ids, axis=0)
    embeddings = words_embeddings + position_embeddings + token_type_embeddings
    embeddings = _layer_norm(embeddings, gamma, beta)
    # dropout is identity in eval mode
    return embeddings

if __name__ == "__main__":
    import jax
    _d = setup_inputs()
    print(jax.jit(kernel)(*tuple(_d.values())))

</pallas_src>

<mosaic_0001>
#map = affine_map<(d0, d1) -> (0, 0)>
#map1 = affine_map<(d0, d1) -> (0, 0, 0)>
module attributes {stable_mosaic.version = 14 : i64} {
  func.func @gather_kernel(%arg0: i32, %arg1: i32, %arg2: memref<100000x128xf32, #tpu.memory_space<hbm>>, %arg3: memref<160x5x128xi32, #tpu.memory_space<hbm>>, %arg4: memref<102400x128xf32, #tpu.memory_space<hbm>>, %arg5: memref<5x128xi32, #tpu.memory_space<vmem>>, %arg6: memref<640x128xf32, #tpu.memory_space<vmem>>, %arg7: memref<!tpu.dma_semaphore, #tpu.memory_space<semaphore_mem>>) attributes {dimension_semantics = [#tpu.dimension_semantics<core_parallel>, #tpu.dimension_semantics<subcore_parallel>], iteration_bounds = array<i64: 2, 16>, scalar_prefetch = 0 : i64, scratch_operands = 3 : i64, tpu.core_type = #tpu.core_type<sc_vector_subcore>, window_params = [{transform_indices = #map}, {transform_indices = #map1}, {transform_indices = #map}]} {
    %mul3A = arith.constant 2 : i32
    %mul3A_0 = arith.muli %arg1, %mul3A : i32
    %add3A = arith.addi %mul3A_0, %arg0 : i32
    %scan3A = arith.constant 0 : i32
    %scan3A_1 = arith.constant 0 : i32
    %scan3A_2 = arith.constant 5 : i32
    %scan3A_3 = arith.addi %scan3A_1, %scan3A_2 : i32
    %scan3A_4 = arith.constant 1 : i32
    scf.for %scan3A_6 = %scan3A_1 to %scan3A_3 step %scan3A_4  : i32 {
      %mul3A_7 = arith.constant 32 : i32
      %mul3A_8 = arith.muli %scan3A_6, %mul3A_7 : i32
      %add3A_9 = arith.addi %add3A, %mul3A_8 : i32
      %lt3A = arith.constant 160 : i32
      %lt3A_10 = arith.cmpi slt, %add3A_9, %lt3A : i32
      %convert_element_type3A = arith.extui %lt3A_10 : i1 to i32
      %cond3A = arith.constant 0 : i32
      %cond3A_11 = arith.cmpi ne, %convert_element_type3A, %cond3A : i32
      scf.if %cond3A_11 {
        "tpu.region"() ({
          %run_scoped3A = tpu.sem_alloc : memref<!tpu.dma_semaphore, #tpu.memory_space<semaphore_mem>>
          %dma_start3A_112 = arith.constant 0 : i32
          %dma_start3A_113 = arith.constant 0 : i32
          %dma_start3A_114 = tpu.memref_slice %arg3[%add3A_9, %dma_start3A_112, %dma_start3A_113] : memref<160x5x128xi32, #tpu.memory_space<hbm>> -> memref<1x5x128xi32, #tpu.memory_space<hbm>>
          %dma_start3A_115 = tpu.memref_squeeze %dma_start3A_114 : memref<1x5x128xi32, #tpu.memory_space<hbm>> -> memref<5x128xi32, #tpu.memory_space<hbm>>
          %dma_start3A_116 = arith.constant 0 : i32
          %dma_start3A_117 = arith.constant 0 : i32
          %dma_start3A_118 = tpu.memref_slice %arg3[%add3A_9, %dma_start3A_116, %dma_start3A_117] : memref<160x5x128xi32, #tpu.memory_space<hbm>> -> memref<1x5x128xi32, #tpu.memory_space<hbm>>
          %dma_start3A_119 = tpu.memref_squeeze %dma_start3A_118 : memref<1x5x128xi32, #tpu.memory_space<hbm>> -> memref<5x128xi32, #tpu.memory_space<hbm>>
          tpu.enqueue_dma source(%dma_start3A_119 : memref<5x128xi32, #tpu.memory_space<hbm>>) target(%arg5 : memref<5x128xi32, #tpu.memory_space<vmem>>) target_semaphore(%run_scoped3A : memref<!tpu.dma_semaphore, #tpu.memory_space<semaphore_mem>>)
          %dma_wait3A_120 = arith.constant 0 : i32
          %dma_wait3A_121 = arith.constant 0 : i32
          %dma_wait3A_122 = tpu.memref_slice %arg3[%add3A_9, %dma_wait3A_120, %dma_wait3A_121] : memref<160x5x128xi32, #tpu.memory_space<hbm>> -> memref<1x5x128xi32, #tpu.memory_space<hbm>>
          %dma_wait3A_123 = tpu.memref_squeeze %dma_wait3A_122 : memref<1x5x128xi32, #tpu.memory_space<hbm>> -> memref<5x128xi32, #tpu.memory_space<hbm>>
          %dma_wait3A_124 = arith.constant 0 : i32
          %dma_wait3A_125 = arith.constant 0 : i32
          %dma_wait3A_126 = tpu.memref_slice %arg3[%add3A_9, %dma_wait3A_124, %dma_wait3A_125] : memref<160x5x128xi32, #tpu.memory_space<hbm>> -> memref<1x5x128xi32, #tpu.memory_space<hbm>>
          %dma_wait3A_127 = tpu.memref_squeeze %dma_wait3A_126 : memref<1x5x128xi32, #tpu.memory_space<hbm>> -> memref<5x128xi32, #tpu.memory_space<hbm>>
          tpu.wait_dma2 semaphore(%run_scoped3A : memref<!tpu.dma_semaphore, #tpu.memory_space<semaphore_mem>>) src(%dma_wait3A_127 : memref<5x128xi32, #tpu.memory_space<hbm>>) dst(%arg5 : memref<5x128xi32, #tpu.memory_space<vmem>>)
          tpu.yield
        }) : () -> ()
        %dma_start3A = arith.constant 0 : i32
        %dma_start3A_12 = arith.constant 0 : i32
        %dma_start3A_13 = arith.constant 0 : i32
        %dma_start3A_14 = tpu.memref_slice %arg6[%dma_start3A_12, %dma_start3A_13] : memref<640x128xf32, #tpu.memory_space<vmem>> -> memref<128x128xf32, #tpu.memory_space<vmem>>
        %dma_start3A_15 = arith.constant 0 : i32
        %dma_start3A_16 = tpu.memref_slice %arg5[%dma_start3A, %dma_start3A_15] : memref<5x128xi32, #tpu.memory_space<vmem>> -> memref<1x128xi32, #tpu.memory_space<vmem>>
        %dma_start3A_17 = tpu.memref_squeeze %dma_start3A_16 : memref<1x128xi32, #tpu.memory_space<vmem>> -> memref<128xi32, #tpu.memory_space<vmem>>
        %dma_start3A_18 = arith.constant 0 : i32
        %dma_start3A_19 = arith.constant 0 : i32
        %dma_start3A_20 = tpu.memref_slice %arg2[%dma_start3A_18, %dma_start3A_19] : memref<100000x128xf32, #tpu.memory_space<hbm>> -> memref<100000x128xf32, #tpu.memory_space<hbm>>
        tpu.enqueue_indirect_dma source(%dma_start3A_20 : memref<100000x128xf32, #tpu.memory_space<hbm>>) target(%dma_start3A_14 : memref<128x128xf32, #tpu.memory_space<vmem>>) offsets(%dma_start3A_17 : memref<128xi32, #tpu.memory_space<vmem>>) semaphore(%arg7 : memref<!tpu.dma_semaphore, #tpu.memory_space<semaphore_mem>>)
        %dma_start3A_21 = arith.constant 1 : i32
        %dma_start3A_22 = arith.constant 128 : i32
        %dma_start3A_23 = arith.constant 0 : i32
        %dma_start3A_24 = tpu.memref_slice %arg6[%dma_start3A_22, %dma_start3A_23] : memref<640x128xf32, #tpu.memory_space<vmem>> -> memref<128x128xf32, #tpu.memory_space<vmem>>
        %dma_start3A_25 = arith.constant 0 : i32
        %dma_start3A_26 = tpu.memref_slice %arg5[%dma_start3A_21, %dma_start3A_25] : memref<5x128xi32, #tpu.memory_space<vmem>> -> memref<1x128xi32, #tpu.memory_space<vmem>>
        %dma_start3A_27 = tpu.memref_squeeze %dma_start3A_26 : memref<1x128xi32, #tpu.memory_space<vmem>> -> memref<128xi32, #tpu.memory_space<vmem>>
        %dma_start3A_28 = arith.constant 0 : i32
        %dma_start3A_29 = arith.constant 0 : i32
        %dma_start3A_30 = tpu.memref_slice %arg2[%dma_start3A_28, %dma_start3A_29] : memref<100000x128xf32, #tpu.memory_space<hbm>> -> memref<100000x128xf32, #tpu.memory_space<hbm>>
        tpu.enqueue_indirect_dma source(%dma_start3A_30 : memref<100000x128xf32, #tpu.memory_space<hbm>>) target(%dma_start3A_24 : memref<128x128xf32, #tpu.memory_space<vmem>>) offsets(%dma_start3A_27 : memref<128xi32, #tpu.memory_space<vmem>>) semaphore(%arg7 : memref<!tpu.dma_semaphore, #tpu.memory_space<semaphore_mem>>)
        %dma_start3A_31 = arith.constant 2 : i32
        %dma_start3A_32 = arith.constant 256 : i32
        %dma_start3A_33 = arith.constant 0 : i32
        %dma_start3A_34 = tpu.memref_slice %arg6[%dma_start3A_32, %dma_start3A_33] : memref<640x128xf32, #tpu.memory_space<vmem>> -> memref<128x128xf32, #tpu.memory_space<vmem>>
        %dma_start3A_35 = arith.constant 0 : i32
        %dma_start3A_36 = tpu.memref_slice %arg5[%dma_start3A_31, %dma_start3A_35] : memref<5x128xi32, #tpu.memory_space<vmem>> -> memref<1x128xi32, #tpu.memory_space<vmem>>
        %dma_start3A_37 = tpu.memref_squeeze %dma_start3A_36 : memref<1x128xi32, #tpu.memory_space<vmem>> -> memref<128xi32, #tpu.memory_space<vmem>>
        %dma_start3A_38 = arith.constant 0 : i32
        %dma_start3A_39 = arith.constant 0 : i32
        %dma_start3A_40 = tpu.memref_slice %arg2[%dma_start3A_38, %dma_start3A_39] : memref<100000x128xf32, #tpu.memory_space<hbm>> -> memref<100000x128xf32, #tpu.memory_space<hbm>>
        tpu.enqueue_indirect_dma source(%dma_start3A_40 : memref<100000x128xf32, #tpu.memory_space<hbm>>) target(%dma_start3A_34 : memref<128x128xf32, #tpu.memory_space<vmem>>) offsets(%dma_start3A_37 : memref<128xi32, #tpu.memory_space<vmem>>) semaphore(%arg7 : memref<!tpu.dma_semaphore, #tpu.memory_space<semaphore_mem>>)
        %dma_start3A_41 = arith.constant 3 : i32
        %dma_start3A_42 = arith.constant 384 : i32
        %dma_start3A_43 = arith.constant 0 : i32
        %dma_start3A_44 = tpu.memref_slice %arg6[%dma_start3A_42, %dma_start3A_43] : memref<640x128xf32, #tpu.memory_space<vmem>> -> memref<128x128xf32, #tpu.memory_space<vmem>>
        %dma_start3A_45 = arith.constant 0 : i32
        %dma_start3A_46 = tpu.memref_slice %arg5[%dma_start3A_41, %dma_start3A_45] : memref<5x128xi32, #tpu.memory_space<vmem>> -> memref<1x128xi32, #tpu.memory_space<vmem>>
        %dma_start3A_47 = tpu.memref_squeeze %dma_start3A_46 : memref<1x128xi32, #tpu.memory_space<vmem>> -> memref<128xi32, #tpu.memory_space<vmem>>
        %dma_start3A_48 = arith.constant 0 : i32
        %dma_start3A_49 = arith.constant 0 : i32
        %dma_start3A_50 = tpu.memref_slice %arg2[%dma_start3A_48, %dma_start3A_49] : memref<100000x128xf32, #tpu.memory_space<hbm>> -> memref<100000x128xf32, #tpu.memory_space<hbm>>
        tpu.enqueue_indirect_dma source(%dma_start3A_50 : memref<100000x128xf32, #tpu.memory_space<hbm>>) target(%dma_start3A_44 : memref<128x128xf32, #tpu.memory_space<vmem>>) offsets(%dma_start3A_47 : memref<128xi32, #tpu.memory_space<vmem>>) semaphore(%arg7 : memref<!tpu.dma_semaphore, #tpu.memory_space<semaphore_mem>>)
        %dma_start3A_51 = arith.constant 4 : i32
        %dma_start3A_52 = arith.constant 512 : i32
        %dma_start3A_53 = arith.constant 0 : i32
        %dma_start3A_54 = tpu.memref_slice %arg6[%dma_start3A_52, %dma_start3A_53] : memref<640x128xf32, #tpu.memory_space<vmem>> -> memref<128x128xf32, #tpu.memory_space<vmem>>
        %dma_start3A_55 = arith.constant 0 : i32
        %dma_start3A_56 = tpu.memref_slice %arg5[%dma_start3A_51, %dma_start3A_55] : memref<5x128xi32, #tpu.memory_space<vmem>> -> memref<1x128xi32, #tpu.memory_space<vmem>>
        %dma_start3A_57 = tpu.memref_squeeze %dma_start3A_56 : memref<1x128xi32, #tpu.memory_space<vmem>> -> memref<128xi32, #tpu.memory_space<vmem>>
        %dma_start3A_58 = arith.constant 0 : i32
        %dma_start3A_59 = arith.constant 0 : i32
        %dma_start3A_60 = tpu.memref_slice %arg2[%dma_start3A_58, %dma_start3A_59] : memref<100000x128xf32, #tpu.memory_space<hbm>> -> memref<100000x128xf32, #tpu.memory_space<hbm>>
        tpu.enqueue_indirect_dma source(%dma_start3A_60 : memref<100000x128xf32, #tpu.memory_space<hbm>>) target(%dma_start3A_54 : memref<128x128xf32, #tpu.memory_space<vmem>>) offsets(%dma_start3A_57 : memref<128xi32, #tpu.memory_space<vmem>>) semaphore(%arg7 : memref<!tpu.dma_semaphore, #tpu.memory_space<semaphore_mem>>)
        %dma_wait3A = arith.constant 0 : i32
        %dma_wait3A_61 = arith.constant 0 : i32
        %dma_wait3A_62 = arith.constant 0 : i32
        %dma_wait3A_63 = tpu.memref_slice %arg6[%dma_wait3A_61, %dma_wait3A_62] : memref<640x128xf32, #tpu.memory_space<vmem>> -> memref<128x128xf32, #tpu.memory_space<vmem>>
        %dma_wait3A_64 = arith.constant 0 : i32
        %dma_wait3A_65 = tpu.memref_slice %arg5[%dma_wait3A, %dma_wait3A_64] : memref<5x128xi32, #tpu.memory_space<vmem>> -> memref<1x128xi32, #tpu.memory_space<vmem>>
        %dma_wait3A_66 = tpu.memref_squeeze %dma_wait3A_65 : memref<1x128xi32, #tpu.memory_space<vmem>> -> memref<128xi32, #tpu.memory_space<vmem>>
        %dma_wait3A_67 = arith.constant 0 : i32
        %dma_wait3A_68 = arith.constant 0 : i32
        %dma_wait3A_69 = tpu.memref_slice %arg2[%dma_wait3A_67, %dma_wait3A_68] : memref<100000x128xf32, #tpu.memory_space<hbm>> -> memref<100000x128xf32, #tpu.memory_space<hbm>>
        tpu.wait_indirect_dma semaphore(%arg7 : memref<!tpu.dma_semaphore, #tpu.memory_space<semaphore_mem>>) src(%dma_wait3A_69 : memref<100000x128xf32, #tpu.memory_space<hbm>>) dst(%dma_wait3A_63 : memref<128x128xf32, #tpu.memory_space<vmem>>)
        %dma_wait3A_70 = arith.constant 1 : i32
        %dma_wait3A_71 = arith.constant 128 : i32
        %dma_wait3A_72 = arith.constant 0 : i32
        %dma_wait3A_73 = tpu.memref_slice %arg6[%dma_wait3A_71, %dma_wait3A_72] : memref<640x128xf32, #tpu.memory_space<vmem>> -> memref<128x128xf32, #tpu.memory_space<vmem>>
        %dma_wait3A_74 = arith.constant 0 : i32
        %dma_wait3A_75 = tpu.memref_slice %arg5[%dma_wait3A_70, %dma_wait3A_74] : memref<5x128xi32, #tpu.memory_space<vmem>> -> memref<1x128xi32, #tpu.memory_space<vmem>>
        %dma_wait3A_76 = tpu.memref_squeeze %dma_wait3A_75 : memref<1x128xi32, #tpu.memory_space<vmem>> -> memref<128xi32, #tpu.memory_space<vmem>>
        %dma_wait3A_77 = arith.constant 0 : i32
        %dma_wait3A_78 = arith.constant 0 : i32
        %dma_wait3A_79 = tpu.memref_slice %arg2[%dma_wait3A_77, %dma_wait3A_78] : memref<100000x128xf32, #tpu.memory_space<hbm>> -> memref<100000x128xf32, #tpu.memory_space<hbm>>
        tpu.wait_indirect_dma semaphore(%arg7 : memref<!tpu.dma_semaphore, #tpu.memory_space<semaphore_mem>>) src(%dma_wait3A_79 : memref<100000x128xf32, #tpu.memory_space<hbm>>) dst(%dma_wait3A_73 : memref<128x128xf32, #tpu.memory_space<vmem>>)
        %dma_wait3A_80 = arith.constant 2 : i32
        %dma_wait3A_81 = arith.constant 256 : i32
        %dma_wait3A_82 = arith.constant 0 : i32
        %dma_wait3A_83 = tpu.memref_slice %arg6[%dma_wait3A_81, %dma_wait3A_82] : memref<640x128xf32, #tpu.memory_space<vmem>> -> memref<128x128xf32, #tpu.memory_space<vmem>>
        %dma_wait3A_84 = arith.constant 0 : i32
        %dma_wait3A_85 = tpu.memref_slice %arg5[%dma_wait3A_80, %dma_wait3A_84] : memref<5x128xi32, #tpu.memory_space<vmem>> -> memref<1x128xi32, #tpu.memory_space<vmem>>
        %dma_wait3A_86 = tpu.memref_squeeze %dma_wait3A_85 : memref<1x128xi32, #tpu.memory_space<vmem>> -> memref<128xi32, #tpu.memory_space<vmem>>
        %dma_wait3A_87 = arith.constant 0 : i32
        %dma_wait3A_88 = arith.constant 0 : i32
        %dma_wait3A_89 = tpu.memref_slice %arg2[%dma_wait3A_87, %dma_wait3A_88] : memref<100000x128xf32, #tpu.memory_space<hbm>> -> memref<100000x128xf32, #tpu.memory_space<hbm>>
        tpu.wait_indirect_dma semaphore(%arg7 : memref<!tpu.dma_semaphore, #tpu.memory_space<semaphore_mem>>) src(%dma_wait3A_89 : memref<100000x128xf32, #tpu.memory_space<hbm>>) dst(%dma_wait3A_83 : memref<128x128xf32, #tpu.memory_space<vmem>>)
        %dma_wait3A_90 = arith.constant 3 : i32
        %dma_wait3A_91 = arith.constant 384 : i32
        %dma_wait3A_92 = arith.constant 0 : i32
        %dma_wait3A_93 = tpu.memref_slice %arg6[%dma_wait3A_91, %dma_wait3A_92] : memref<640x128xf32, #tpu.memory_space<vmem>> -> memref<128x128xf32, #tpu.memory_space<vmem>>
        %dma_wait3A_94 = arith.constant 0 : i32
        %dma_wait3A_95 = tpu.memref_slice %arg5[%dma_wait3A_90, %dma_wait3A_94] : memref<5x128xi32, #tpu.memory_space<vmem>> -> memref<1x128xi32, #tpu.memory_space<vmem>>
        %dma_wait3A_96 = tpu.memref_squeeze %dma_wait3A_95 : memref<1x128xi32, #tpu.memory_space<vmem>> -> memref<128xi32, #tpu.memory_space<vmem>>
        %dma_wait3A_97 = arith.constant 0 : i32
        %dma_wait3A_98 = arith.constant 0 : i32
        %dma_wait3A_99 = tpu.memref_slice %arg2[%dma_wait3A_97, %dma_wait3A_98] : memref<100000x128xf32, #tpu.memory_space<hbm>> -> memref<100000x128xf32, #tpu.memory_space<hbm>>
        tpu.wait_indirect_dma semaphore(%arg7 : memref<!tpu.dma_semaphore, #tpu.memory_space<semaphore_mem>>) src(%dma_wait3A_99 : memref<100000x128xf32, #tpu.memory_space<hbm>>) dst(%dma_wait3A_93 : memref<128x128xf32, #tpu.memory_space<vmem>>)
        %dma_wait3A_100 = arith.constant 4 : i32
        %dma_wait3A_101 = arith.constant 512 : i32
        %dma_wait3A_102 = arith.constant 0 : i32
        %dma_wait3A_103 = tpu.memref_slice %arg6[%dma_wait3A_101, %dma_wait3A_102] : memref<640x128xf32, #tpu.memory_space<vmem>> -> memref<128x128xf32, #tpu.memory_space<vmem>>
        %dma_wait3A_104 = arith.constant 0 : i32
        %dma_wait3A_105 = tpu.memref_slice %arg5[%dma_wait3A_100, %dma_wait3A_104] : memref<5x128xi32, #tpu.memory_space<vmem>> -> memref<1x128xi32, #tpu.memory_space<vmem>>
        %dma_wait3A_106 = tpu.memref_squeeze %dma_wait3A_105 : memref<1x128xi32, #tpu.memory_space<vmem>> -> memref<128xi32, #tpu.memory_space<vmem>>
        %dma_wait3A_107 = arith.constant 0 : i32
        %dma_wait3A_108 = arith.constant 0 : i32
        %dma_wait3A_109 = tpu.memref_slice %arg2[%dma_wait3A_107, %dma_wait3A_108] : memref<100000x128xf32, #tpu.memory_space<hbm>> -> memref<100000x128xf32, #tpu.memory_space<hbm>>
        tpu.wait_indirect_dma semaphore(%arg7 : memref<!tpu.dma_semaphore, #tpu.memory_space<semaphore_mem>>) src(%dma_wait3A_109 : memref<100000x128xf32, #tpu.memory_space<hbm>>) dst(%dma_wait3A_103 : memref<128x128xf32, #tpu.memory_space<vmem>>)
        %mul3A_110 = arith.constant 640 : i32
        %mul3A_111 = arith.muli %add3A_9, %mul3A_110 : i32
        "tpu.region"() ({
          %run_scoped3A = tpu.sem_alloc : memref<!tpu.dma_semaphore, #tpu.memory_space<semaphore_mem>>
          %dma_start3A_112 = arith.constant 0 : i32
          %dma_start3A_113 = tpu.memref_slice %arg4[%mul3A_111, %dma_start3A_112] : memref<102400x128xf32, #tpu.memory_space<hbm>> -> memref<640x128xf32, #tpu.memory_space<hbm>>
          %dma_start3A_114 = arith.constant 0 : i32
          %dma_start3A_115 = tpu.memref_slice %arg4[%mul3A_111, %dma_start3A_114] : memref<102400x128xf32, #tpu.memory_space<hbm>> -> memref<640x128xf32, #tpu.memory_space<hbm>>
          tpu.enqueue_dma source(%arg6 : memref<640x128xf32, #tpu.memory_space<vmem>>) target(%dma_start3A_115 : memref<640x128xf32, #tpu.memory_space<hbm>>) target_semaphore(%run_scoped3A : memref<!tpu.dma_semaphore, #tpu.memory_space<semaphore_mem>>)
          %dma_wait3A_116 = arith.constant 0 : i32
          %dma_wait3A_117 = tpu.memref_slice %arg4[%mul3A_111, %dma_wait3A_116] : memref<102400x128xf32, #tpu.memory_space<hbm>> -> memref<640x128xf32, #tpu.memory_space<hbm>>
          %dma_wait3A_118 = arith.constant 0 : i32
          %dma_wait3A_119 = tpu.memref_slice %arg4[%mul3A_111, %dma_wait3A_118] : memref<102400x128xf32, #tpu.memory_space<hbm>> -> memref<640x128xf32, #tpu.memory_space<hbm>>
          tpu.wait_dma2 semaphore(%run_scoped3A : memref<!tpu.dma_semaphore, #tpu.memory_space<semaphore_mem>>) src(%arg6 : memref<640x128xf32, #tpu.memory_space<vmem>>) dst(%dma_wait3A_119 : memref<640x128xf32, #tpu.memory_space<hbm>>)
          tpu.yield
        }) : () -> ()
      } else {
      }
    }
    %scan3A_5 = arith.constant 5 : i32
    return
  }
}

#map = affine_map<(d0, d1) -> (0, 0)>
#map1 = affine_map<(d0, d1) -> (0, 0, 0)>
module attributes {stable_mosaic.version = 14 : i64} {
  func.func @gather_kernel(%arg0: i32, %arg1: i32, %arg2: memref<100000x128xf32, #tpu.memory_space<hbm>>, %arg3: memref<160x5x128xi32, #tpu.memory_space<hbm>>, %arg4: memref<102400x128xf32, #tpu.memory_space<hbm>>, %arg5: memref<5x128xi32, #tpu.memory_space<vmem>>, %arg6: memref<640x128xf32, #tpu.memory_space<vmem>>, %arg7: memref<!tpu.dma_semaphore, #tpu.memory_space<semaphore_mem>>) attributes {dimension_semantics = [#tpu.dimension_semantics<core_parallel>, #tpu.dimension_semantics<subcore_parallel>], iteration_bounds = array<i64: 2, 16>, scalar_prefetch = 0 : i64, scratch_operands = 3 : i64, tpu.core_type = #tpu.core_type<sc_vector_subcore>, window_params = [{transform_indices = #map}, {transform_indices = #map1}, {transform_indices = #map}]} {
    %mul3A = arith.constant 2 : i32
    %mul3A_0 = arith.muli %arg1, %mul3A : i32
    %add3A = arith.addi %mul3A_0, %arg0 : i32
    %scan3A = arith.constant 0 : i32
    %scan3A_1 = arith.constant 0 : i32
    %scan3A_2 = arith.constant 5 : i32
    %scan3A_3 = arith.addi %scan3A_1, %scan3A_2 : i32
    %scan3A_4 = arith.constant 1 : i32
    scf.for %scan3A_6 = %scan3A_1 to %scan3A_3 step %scan3A_4  : i32 {
      %mul3A_7 = arith.constant 32 : i32
      %mul3A_8 = arith.muli %scan3A_6, %mul3A_7 : i32
      %add3A_9 = arith.addi %add3A, %mul3A_8 : i32
      %lt3A = arith.constant 160 : i32
      %lt3A_10 = arith.cmpi slt, %add3A_9, %lt3A : i32
      %convert_element_type3A = arith.extui %lt3A_10 : i1 to i32
      %cond3A = arith.constant 0 : i32
      %cond3A_11 = arith.cmpi ne, %convert_element_type3A, %cond3A : i32
      scf.if %cond3A_11 {
        "tpu.region"() ({
          %run_scoped3A = tpu.sem_alloc : memref<!tpu.dma_semaphore, #tpu.memory_space<semaphore_mem>>
          %dma_start3A_112 = arith.constant 0 : i32
          %dma_start3A_113 = arith.constant 0 : i32
          %dma_start3A_114 = tpu.memref_slice %arg3[%add3A_9, %dma_start3A_112, %dma_start3A_113] : memref<160x5x128xi32, #tpu.memory_space<hbm>> -> memref<1x5x128xi32, #tpu.memory_space<hbm>>
          %dma_start3A_115 = tpu.memref_squeeze %dma_start3A_114 : memref<1x5x128xi32, #tpu.memory_space<hbm>> -> memref<5x128xi32, #tpu.memory_space<hbm>>
          %dma_start3A_116 = arith.constant 0 : i32
          %dma_start3A_117 = arith.constant 0 : i32
          %dma_start3A_118 = tpu.memref_slice %arg3[%add3A_9, %dma_start3A_116, %dma_start3A_117] : memref<160x5x128xi32, #tpu.memory_space<hbm>> -> memref<1x5x128xi32, #tpu.memory_space<hbm>>
          %dma_start3A_119 = tpu.memref_squeeze %dma_start3A_118 : memref<1x5x128xi32, #tpu.memory_space<hbm>> -> memref<5x128xi32, #tpu.memory_space<hbm>>
          tpu.enqueue_dma source(%dma_start3A_119 : memref<5x128xi32, #tpu.memory_space<hbm>>) target(%arg5 : memref<5x128xi32, #tpu.memory_space<vmem>>) target_semaphore(%run_scoped3A : memref<!tpu.dma_semaphore, #tpu.memory_space<semaphore_mem>>)
          %dma_wait3A_120 = arith.constant 0 : i32
          %dma_wait3A_121 = arith.constant 0 : i32
          %dma_wait3A_122 = tpu.memref_slice %arg3[%add3A_9, %dma_wait3A_120, %dma_wait3A_121] : memref<160x5x128xi32, #tpu.memory_space<hbm>> -> memref<1x5x128xi32, #tpu.memory_space<hbm>>
          %dma_wait3A_123 = tpu.memref_squeeze %dma_wait3A_122 : memref<1x5x128xi32, #tpu.memory_space<hbm>> -> memref<5x128xi32, #tpu.memory_space<hbm>>
          %dma_wait3A_124 = arith.constant 0 : i32
          %dma_wait3A_125 = arith.constant 0 : i32
          %dma_wait3A_126 = tpu.memref_slice %arg3[%add3A_9, %dma_wait3A_124, %dma_wait3A_125] : memref<160x5x128xi32, #tpu.memory_space<hbm>> -> memref<1x5x128xi32, #tpu.memory_space<hbm>>
          %dma_wait3A_127 = tpu.memref_squeeze %dma_wait3A_126 : memref<1x5x128xi32, #tpu.memory_space<hbm>> -> memref<5x128xi32, #tpu.memory_space<hbm>>
          tpu.wait_dma2 semaphore(%run_scoped3A : memref<!tpu.dma_semaphore, #tpu.memory_space<semaphore_mem>>) src(%dma_wait3A_127 : memref<5x128xi32, #tpu.memory_space<hbm>>) dst(%arg5 : memref<5x128xi32, #tpu.memory_space<vmem>>)
          tpu.yield
        }) : () -> ()
        %dma_start3A = arith.constant 0 : i32
        %dma_start3A_12 = arith.constant 0 : i32
        %dma_start3A_13 = arith.constant 0 : i32
        %dma_start3A_14 = tpu.memref_slice %arg6[%dma_start3A_12, %dma_start3A_13] : memref<640x128xf32, #tpu.memory_space<vmem>> -> memref<128x128xf32, #tpu.memory_space<vmem>>
        %dma_start3A_15 = arith.constant 0 : i32
        %dma_start3A_16 = tpu.memref_slice %arg5[%dma_start3A, %dma_start3A_15] : memref<5x128xi32, #tpu.memory_space<vmem>> -> memref<1x128xi32, #tpu.memory_space<vmem>>
        %dma_start3A_17 = tpu.memref_squeeze %dma_start3A_16 : memref<1x128xi32, #tpu.memory_space<vmem>> -> memref<128xi32, #tpu.memory_space<vmem>>
        %dma_start3A_18 = arith.constant 0 : i32
        %dma_start3A_19 = arith.constant 0 : i32
        %dma_start3A_20 = tpu.memref_slice %arg2[%dma_start3A_18, %dma_start3A_19] : memref<100000x128xf32, #tpu.memory_space<hbm>> -> memref<100000x128xf32, #tpu.memory_space<hbm>>
        tpu.enqueue_indirect_dma source(%dma_start3A_20 : memref<100000x128xf32, #tpu.memory_space<hbm>>) target(%dma_start3A_14 : memref<128x128xf32, #tpu.memory_space<vmem>>) offsets(%dma_start3A_17 : memref<128xi32, #tpu.memory_space<vmem>>) semaphore(%arg7 : memref<!tpu.dma_semaphore, #tpu.memory_space<semaphore_mem>>)
        %dma_start3A_21 = arith.constant 1 : i32
        %dma_start3A_22 = arith.constant 128 : i32
        %dma_start3A_23 = arith.constant 0 : i32
        %dma_start3A_24 = tpu.memref_slice %arg6[%dma_start3A_22, %dma_start3A_23] : memref<640x128xf32, #tpu.memory_space<vmem>> -> memref<128x128xf32, #tpu.memory_space<vmem>>
        %dma_start3A_25 = arith.constant 0 : i32
        %dma_start3A_26 = tpu.memref_slice %arg5[%dma_start3A_21, %dma_start3A_25] : memref<5x128xi32, #tpu.memory_space<vmem>> -> memref<1x128xi32, #tpu.memory_space<vmem>>
        %dma_start3A_27 = tpu.memref_squeeze %dma_start3A_26 : memref<1x128xi32, #tpu.memory_space<vmem>> -> memref<128xi32, #tpu.memory_space<vmem>>
        %dma_start3A_28 = arith.constant 0 : i32
        %dma_start3A_29 = arith.constant 0 : i32
        %dma_start3A_30 = tpu.memref_slice %arg2[%dma_start3A_28, %dma_start3A_29] : memref<100000x128xf32, #tpu.memory_space<hbm>> -> memref<100000x128xf32, #tpu.memory_space<hbm>>
        tpu.enqueue_indirect_dma source(%dma_start3A_30 : memref<100000x128xf32, #tpu.memory_space<hbm>>) target(%dma_start3A_24 : memref<128x128xf32, #tpu.memory_space<vmem>>) offsets(%dma_start3A_27 : memref<128xi32, #tpu.memory_space<vmem>>) semaphore(%arg7 : memref<!tpu.dma_semaphore, #tpu.memory_space<semaphore_mem>>)
        %dma_start3A_31 = arith.constant 2 : i32
        %dma_start3A_32 = arith.constant 256 : i32
        %dma_start3A_33 = arith.constant 0 : i32
        %dma_start3A_34 = tpu.memref_slice %arg6[%dma_start3A_32, %dma_start3A_33] : memref<640x128xf32, #tpu.memory_space<vmem>> -> memref<128x128xf32, #tpu.memory_space<vmem>>
        %dma_start3A_35 = arith.constant 0 : i32
        %dma_start3A_36 = tpu.memref_slice %arg5[%dma_start3A_31, %dma_start3A_35] : memref<5x128xi32, #tpu.memory_space<vmem>> -> memref<1x128xi32, #tpu.memory_space<vmem>>
        %dma_start3A_37 = tpu.memref_squeeze %dma_start3A_36 : memref<1x128xi32, #tpu.memory_space<vmem>> -> memref<128xi32, #tpu.memory_space<vmem>>
        %dma_start3A_38 = arith.constant 0 : i32
        %dma_start3A_39 = arith.constant 0 : i32
        %dma_start3A_40 = tpu.memref_slice %arg2[%dma_start3A_38, %dma_start3A_39] : memref<100000x128xf32, #tpu.memory_space<hbm>> -> memref<100000x128xf32, #tpu.memory_space<hbm>>
        tpu.enqueue_indirect_dma source(%dma_start3A_40 : memref<100000x128xf32, #tpu.memory_space<hbm>>) target(%dma_start3A_34 : memref<128x128xf32, #tpu.memory_space<vmem>>) offsets(%dma_start3A_37 : memref<128xi32, #tpu.memory_space<vmem>>) semaphore(%arg7 : memref<!tpu.dma_semaphore, #tpu.memory_space<semaphore_mem>>)
        %dma_start3A_41 = arith.constant 3 : i32
        %dma_start3A_42 = arith.constant 384 : i32
        %dma_start3A_43 = arith.constant 0 : i32
        %dma_start3A_44 = tpu.memref_slice %arg6[%dma_start3A_42, %dma_start3A_43] : memref<640x128xf32, #tpu.memory_space<vmem>> -> memref<128x128xf32, #tpu.memory_space<vmem>>
        %dma_start3A_45 = arith.constant 0 : i32
        %dma_start3A_46 = tpu.memref_slice %arg5[%dma_start3A_41, %dma_start3A_45] : memref<5x128xi32, #tpu.memory_space<vmem>> -> memref<1x128xi32, #tpu.memory_space<vmem>>
        %dma_start3A_47 = tpu.memref_squeeze %dma_start3A_46 : memref<1x128xi32, #tpu.memory_space<vmem>> -> memref<128xi32, #tpu.memory_space<vmem>>
        %dma_start3A_48 = arith.constant 0 : i32
        %dma_start3A_49 = arith.constant 0 : i32
        %dma_start3A_50 = tpu.memref_slice %arg2[%dma_start3A_48, %dma_start3A_49] : memref<100000x128xf32, #tpu.memory_space<hbm>> -> memref<100000x128xf32, #tpu.memory_space<hbm>>
        tpu.enqueue_indirect_dma source(%dma_start3A_50 : memref<100000x128xf32, #tpu.memory_space<hbm>>) target(%dma_start3A_44 : memref<128x128xf32, #tpu.memory_space<vmem>>) offsets(%dma_start3A_47 : memref<128xi32, #tpu.memory_space<vmem>>) semaphore(%arg7 : memref<!tpu.dma_semaphore, #tpu.memory_space<semaphore_mem>>)
        %dma_start3A_51 = arith.constant 4 : i32
        %dma_start3A_52 = arith.constant 512 : i32
        %dma_start3A_53 = arith.constant 0 : i32
        %dma_start3A_54 = tpu.memref_slice %arg6[%dma_start3A_52, %dma_start3A_53] : memref<640x128xf32, #tpu.memory_space<vmem>> -> memref<128x128xf32, #tpu.memory_space<vmem>>
        %dma_start3A_55 = arith.constant 0 : i32
        %dma_start3A_56 = tpu.memref_slice %arg5[%dma_start3A_51, %dma_start3A_55] : memref<5x128xi32, #tpu.memory_space<vmem>> -> memref<1x128xi32, #tpu.memory_space<vmem>>
        %dma_start3A_57 = tpu.memref_squeeze %dma_start3A_56 : memref<1x128xi32, #tpu.memory_space<vmem>> -> memref<128xi32, #tpu.memory_space<vmem>>
        %dma_start3A_58 = arith.constant 0 : i32
        %dma_start3A_59 = arith.constant 0 : i32
        %dma_start3A_60 = tpu.memref_slice %arg2[%dma_start3A_58, %dma_start3A_59] : memref<100000x128xf32, #tpu.memory_space<hbm>> -> memref<100000x128xf32, #tpu.memory_space<hbm>>
        tpu.enqueue_indirect_dma source(%dma_start3A_60 : memref<100000x128xf32, #tpu.memory_space<hbm>>) target(%dma_start3A_54 : memref<128x128xf32, #tpu.memory_space<vmem>>) offsets(%dma_start3A_57 : memref<128xi32, #tpu.memory_space<vmem>>) semaphore(%arg7 : memref<!tpu.dma_semaphore, #tpu.memory_space<semaphore_mem>>)
        %dma_wait3A = arith.constant 0 : i32
        %dma_wait3A_61 = arith.constant 0 : i32
        %dma_wait3A_62 = arith.constant 0 : i32
        %dma_wait3A_63 = tpu.memref_slice %arg6[%dma_wait3A_61, %dma_wait3A_62] : memref<640x128xf32, #tpu.memory_space<vmem>> -> memref<128x128xf32, #tpu.memory_space<vmem>>
        %dma_wait3A_64 = arith.constant 0 : i32
        %dma_wait3A_65 = tpu.memref_slice %arg5[%dma_wait3A, %dma_wait3A_64] : memref<5x128xi32, #tpu.memory_space<vmem>> -> memref<1x128xi32, #tpu.memory_space<vmem>>
        %dma_wait3A_66 = tpu.memref_squeeze %dma_wait3A_65 : memref<1x128xi32, #tpu.memory_space<vmem>> -> memref<128xi32, #tpu.memory_space<vmem>>
        %dma_wait3A_67 = arith.constant 0 : i32
        %dma_wait3A_68 = arith.constant 0 : i32
        %dma_wait3A_69 = tpu.memref_slice %arg2[%dma_wait3A_67, %dma_wait3A_68] : memref<100000x128xf32, #tpu.memory_space<hbm>> -> memref<100000x128xf32, #tpu.memory_space<hbm>>
        tpu.wait_indirect_dma semaphore(%arg7 : memref<!tpu.dma_semaphore, #tpu.memory_space<semaphore_mem>>) src(%dma_wait3A_69 : memref<100000x128xf32, #tpu.memory_space<hbm>>) dst(%dma_wait3A_63 : memref<128x128xf32, #tpu.memory_space<vmem>>)
        %dma_wait3A_70 = arith.constant 1 : i32
        %dma_wait3A_71 = arith.constant 128 : i32
        %dma_wait3A_72 = arith.constant 0 : i32
        %dma_wait3A_73 = tpu.memref_slice %arg6[%dma_wait3A_71, %dma_wait3A_72] : memref<640x128xf32, #tpu.memory_space<vmem>> -> memref<128x128xf32, #tpu.memory_space<vmem>>
        %dma_wait3A_74 = arith.constant 0 : i32
        %dma_wait3A_75 = tpu.memref_slice %arg5[%dma_wait3A_70, %dma_wait3A_74] : memref<5x128xi32, #tpu.memory_space<vmem>> -> memref<1x128xi32, #tpu.memory_space<vmem>>
        %dma_wait3A_76 = tpu.memref_squeeze %dma_wait3A_75 : memref<1x128xi32, #tpu.memory_space<vmem>> -> memref<128xi32, #tpu.memory_space<vmem>>
        %dma_wait3A_77 = arith.constant 0 : i32
        %dma_wait3A_78 = arith.constant 0 : i32
        %dma_wait3A_79 = tpu.memref_slice %arg2[%dma_wait3A_77, %dma_wait3A_78] : memref<100000x128xf32, #tpu.memory_space<hbm>> -> memref<100000x128xf32, #tpu.memory_space<hbm>>
        tpu.wait_indirect_dma semaphore(%arg7 : memref<!tpu.dma_semaphore, #tpu.memory_space<semaphore_mem>>) src(%dma_wait3A_79 : memref<100000x128xf32, #tpu.memory_space<hbm>>) dst(%dma_wait3A_73 : memref<128x128xf32, #tpu.memory_space<vmem>>)
        %dma_wait3A_80 = arith.constant 2 : i32
        %dma_wait3A_81 = arith.constant 256 : i32
        %dma_wait3A_82 = arith.constant 0 : i32
        %dma_wait3A_83 = tpu.memref_slice %arg6[%dma_wait3A_81, %dma_wait3A_82] : memref<640x128xf32, #tpu.memory_space<vmem>> -> memref<128x128xf32, #tpu.memory_space<vmem>>
        %dma_wait3A_84 = arith.constant 0 : i32
        %dma_wait3A_85 = tpu.memref_slice %arg5[%dma_wait3A_80, %dma_wait3A_84] : memref<5x128xi32, #tpu.memory_space<vmem>> -> memref<1x128xi32, #tpu.memory_space<vmem>>
        %dma_wait3A_86 = tpu.memref_squeeze %dma_wait3A_85 : memref<1x128xi32, #tpu.memory_space<vmem>> -> memref<128xi32, #tpu.memory_space<vmem>>
        %dma_wait3A_87 = arith.constant 0 : i32
        %dma_wait3A_88 = arith.constant 0 : i32
        %dma_wait3A_89 = tpu.memref_slice %arg2[%dma_wait3A_87, %dma_wait3A_88] : memref<100000x128xf32, #tpu.memory_space<hbm>> -> memref<100000x128xf32, #tpu.memory_space<hbm>>
        tpu.wait_indirect_dma semaphore(%arg7 : memref<!tpu.dma_semaphore, #tpu.memory_space<semaphore_mem>>) src(%dma_wait3A_89 : memref<100000x128xf32, #tpu.memory_space<hbm>>) dst(%dma_wait3A_83 : memref<128x128xf32, #tpu.memory_space<vmem>>)
        %dma_wait3A_90 = arith.constant 3 : i32
        %dma_wait3A_91 = arith.constant 384 : i32
        %dma_wait3A_92 = arith.constant 0 : i32
        %dma_wait3A_93 = tpu.memref_slice %arg6[%dma_wait3A_91, %dma_wait3A_92] : memref<640x128xf32, #tpu.memory_space<vmem>> -> memref<128x128xf32, #tpu.memory_space<vmem>>
        %dma_wait3A_94 = arith.constant 0 : i32
        %dma_wait3A_95 = tpu.memref_slice %arg5[%dma_wait3A_90, %dma_wait3A_94] : memref<5x128xi32, #tpu.memory_space<vmem>> -> memref<1x128xi32, #tpu.memory_space<vmem>>
        %dma_wait3A_96 = tpu.memref_squeeze %dma_wait3A_95 : memref<1x128xi32, #tpu.memory_space<vmem>> -> memref<128xi32, #tpu.memory_space<vmem>>
        %dma_wait3A_97 = arith.constant 0 : i32
        %dma_wait3A_98 = arith.constant 0 : i32
        %dma_wait3A_99 = tpu.memref_slice %arg2[%dma_wait3A_97, %dma_wait3A_98] : memref<100000x128xf32, #tpu.memory_space<hbm>> -> memref<100000x128xf32, #tpu.memory_space<hbm>>
        tpu.wait_indirect_dma semaphore(%arg7 : memref<!tpu.dma_semaphore, #tpu.memory_space<semaphore_mem>>) src(%dma_wait3A_99 : memref<100000x128xf32, #tpu.memory_space<hbm>>) dst(%dma_wait3A_93 : memref<128x128xf32, #tpu.memory_space<vmem>>)
        %dma_wait3A_100 = arith.constant 4 : i32
        %dma_wait3A_101 = arith.constant 512 : i32
        %dma_wait3A_102 = arith.constant 0 : i32
        %dma_wait3A_103 = tpu.memref_slice %arg6[%dma_wait3A_101, %dma_wait3A_102] : memref<640x128xf32, #tpu.memory_space<vmem>> -> memref<128x128xf32, #tpu.memory_space<vmem>>
        %dma_wait3A_104 = arith.constant 0 : i32
        %dma_wait3A_105 = tpu.memref_slice %arg5[%dma_wait3A_100, %dma_wait3A_104] : memref<5x128xi32, #tpu.memory_space<vmem>> -> memref<1x128xi32, #tpu.memory_space<vmem>>
        %dma_wait3A_106 = tpu.memref_squeeze %dma_wait3A_105 : memref<1x128xi32, #tpu.memory_space<vmem>> -> memref<128xi32, #tpu.memory_space<vmem>>
        %dma_wait3A_107 = arith.constant 0 : i32
        %dma_wait3A_108 = arith.constant 0 : i32
        %dma_wait3A_109 = tpu.memref_slice %arg2[%dma_wait3A_107, %dma_wait3A_108] : memref<100000x128xf32, #tpu.memory_space<hbm>> -> memref<100000x128xf32, #tpu.memory_space<hbm>>
        tpu.wait_indirect_dma semaphore(%arg7 : memref<!tpu.dma_semaphore, #tpu.memory_space<semaphore_mem>>) src(%dma_wait3A_109 : memref<100000x128xf32, #tpu.memory_space<hbm>>) dst(%dma_wait3A_103 : memref<128x128xf32, #tpu.memory_space<vmem>>)
        %mul3A_110 = arith.constant 640 : i32
        %mul3A_111 = arith.muli %add3A_9, %mul3A_110 : i32
        "tpu.region"() ({
          %run_scoped3A = tpu.sem_alloc : memref<!tpu.dma_semaphore, #tpu.memory_space<semaphore_mem>>
          %dma_start3A_112 = arith.constant 0 : i32
          %dma_start3A_113 = tpu.memref_slice %arg4[%mul3A_111, %dma_start3A_112] : memref<102400x128xf32, #tpu.memory_space<hbm>> -> memref<640x128xf32, #tpu.memory_space<hbm>>
          %dma_start3A_114 = arith.constant 0 : i32
          %dma_start3A_115 = tpu.memref_slice %arg4[%mul3A_111, %dma_start3A_114] : memref<102400x128xf32, #tpu.memory_space<hbm>> -> memref<640x128xf32, #tpu.memory_space<hbm>>
          tpu.enqueue_dma source(%arg6 : memref<640x128xf32, #tpu.memory_space<vmem>>) target(%dma_start3A_115 : memref<640x128xf32, #tpu.memory_space<hbm>>) target_semaphore(%run_scoped3A : memref<!tpu.dma_semaphore, #tpu.memory_space<semaphore_mem>>)
          %dma_wait3A_116 = arith.constant 0 : i32
          %dma_wait3A_117 = tpu.memref_slice %arg4[%mul3A_111, %dma_wait3A_116] : memref<102400x128xf32, #tpu.memory_space<hbm>> -> memref<640x128xf32, #tpu.memory_space<hbm>>
          %dma_wait3A_118 = arith.constant 0 : i32
          %dma_wait3A_119 = tpu.memref_slice %arg4[%mul3A_111, %dma_wait3A_118] : memref<102400x128xf32, #tpu.memory_space<hbm>> -> memref<640x128xf32, #tpu.memory_space<hbm>>
          tpu.wait_dma2 semaphore(%run_scoped3A : memref<!tpu.dma_semaphore, #tpu.memory_space<semaphore_mem>>) src(%arg6 : memref<640x128xf32, #tpu.memory_space<vmem>>) dst(%dma_wait3A_119 : memref<640x128xf32, #tpu.memory_space<hbm>>)
          tpu.yield
        }) : () -> ()
      } else {
      }
    }
    %scan3A_5 = arith.constant 5 : i32
    return
  }
}

module attributes {stable_mosaic.version = 14 : i64} {
  func.func @_ln_body(%arg0: i32, %arg1: memref<6400x128xf32, #tpu.memory_space<vmem>>, %arg2: memref<1x50x128xf32, #tpu.memory_space<vmem>>, %arg3: memref<6400x128xf32, #tpu.memory_space<vmem>>, %arg4: memref<2x128xf32, #tpu.memory_space<vmem>>, %arg5: memref<1x128xf32, #tpu.memory_space<vmem>>, %arg6: memref<1x128xf32, #tpu.memory_space<vmem>>, %arg7: memref<6400x128xf32, #tpu.memory_space<vmem>>) attributes {dimension_semantics = [#tpu.dimension_semantics<arbitrary>], iteration_bounds = array<i64: 16>, scalar_prefetch = 0 : i64, scratch_operands = 0 : i64, tpu.core_type = #tpu.core_type<tc>, window_params = [{transform_indices = @transform_0, window_bounds = array<i64: 6400, 128>}, {transform_indices = @transform_1, window_bounds = array<i64: 1, 50, 128>}, {pipeline_mode = #tpu.pipeline_mode<synchronous>, transform_indices = @transform_2, window_bounds = array<i64: 6400, 128>}, {pipeline_mode = #tpu.pipeline_mode<synchronous>, transform_indices = @transform_3, window_bounds = array<i64: 2, 128>}, {pipeline_mode = #tpu.pipeline_mode<synchronous>, transform_indices = @transform_4, window_bounds = array<i64: 1, 128>}, {pipeline_mode = #tpu.pipeline_mode<synchronous>, transform_indices = @transform_5, window_bounds = array<i64: 1, 128>}, {transform_indices = @transform_6, window_bounds = array<i64: 6400, 128>}]} {
    %get3A = arith.constant 0 : index
    %get3A_0 = arith.constant 0 : index
    %get3A_1 = vector.load %arg1[%get3A, %get3A_0] : memref<6400x128xf32, #tpu.memory_space<vmem>>, vector<6400x128xf32>
    %get3A_2 = arith.constant 0 : index
    %get3A_3 = arith.constant 0 : index
    %get3A_4 = vector.load %arg3[%get3A_2, %get3A_3] : memref<6400x128xf32, #tpu.memory_space<vmem>>, vector<6400x128xf32>
    %add3A = arith.addf %get3A_1, %get3A_4 : vector<6400x128xf32>
    %get3A_5 = arith.constant 0 : index
    %get3A_6 = arith.constant 0 : index
    %get3A_7 = vector.load %arg4[%get3A_5, %get3A_6] : memref<2x128xf32, #tpu.memory_space<vmem>>, vector<1x128xf32>
    %get3A_8 = arith.constant 1 : index
    %get3A_9 = arith.constant 0 : index
    %get3A_10 = vector.load %arg4[%get3A_8, %get3A_9] : memref<2x128xf32, #tpu.memory_space<vmem>>, vector<1x128xf32>
    %sub3A = arith.subf %get3A_10, %get3A_7 : vector<1x128xf32>
    %get3A_11 = arith.constant 0 : index
    %get3A_12 = arith.constant 0 : index
    %get3A_13 = arith.constant 0 : index
    %get3A_14 = vector.load %arg2[%get3A_11, %get3A_12, %get3A_13] : memref<1x50x128xf32, #tpu.memory_space<vmem>>, vector<1x50x128xf32>
    %get3A_15 = vector.shape_cast %get3A_14 : vector<1x50x128xf32> to vector<50x128xf32>
    %transpose3A = tpu.transpose %get3A_15, [1, 0] : vector<50x128xf32> -> vector<128x50xf32>
    %slice3A = vector.extract_strided_slice %transpose3A {offsets = [0, 0], sizes = [128, 1], strides = [1, 1]} : vector<128x50xf32> to vector<128x1xf32>
    %mul3A = vector.broadcast %slice3A : vector<128x1xf32> to vector<128x128xf32>
    %mul3A_16 = vector.broadcast %sub3A : vector<1x128xf32> to vector<128x128xf32>
    %mul3A_17 = arith.mulf %mul3A, %mul3A_16 : vector<128x128xf32>
    %slice3A_18 = vector.extract_strided_slice %transpose3A {offsets = [0, 1], sizes = [128, 1], strides = [1, 1]} : vector<128x50xf32> to vector<128x1xf32>
    %mul3A_19 = vector.broadcast %slice3A_18 : vector<128x1xf32> to vector<128x128xf32>
    %mul3A_20 = vector.broadcast %sub3A : vector<1x128xf32> to vector<128x128xf32>
    %mul3A_21 = arith.mulf %mul3A_19, %mul3A_20 : vector<128x128xf32>
    %slice3A_22 = vector.extract_strided_slice %transpose3A {offsets = [0, 2], sizes = [128, 1], strides = [1, 1]} : vector<128x50xf32> to vector<128x1xf32>
    %mul3A_23 = vector.broadcast %slice3A_22 : vector<128x1xf32> to vector<128x128xf32>
    %mul3A_24 = vector.broadcast %sub3A : vector<1x128xf32> to vector<128x128xf32>
    %mul3A_25 = arith.mulf %mul3A_23, %mul3A_24 : vector<128x128xf32>
    %slice3A_26 = vector.extract_strided_slice %transpose3A {offsets = [0, 3], sizes = [128, 1], strides = [1, 1]} : vector<128x50xf32> to vector<128x1xf32>
    %mul3A_27 = vector.broadcast %slice3A_26 : vector<128x1xf32> to vector<128x128xf32>
    %mul3A_28 = vector.broadcast %sub3A : vector<1x128xf32> to vector<128x128xf32>
    %mul3A_29 = arith.mulf %mul3A_27, %mul3A_28 : vector<128x128xf32>
    %slice3A_30 = vector.extract_strided_slice %transpose3A {offsets = [0, 4], sizes = [128, 1], strides = [1, 1]} : vector<128x50xf32> to vector<128x1xf32>
    %mul3A_31 = vector.broadcast %slice3A_30 : vector<128x1xf32> to vector<128x128xf32>
    %mul3A_32 = vector.broadcast %sub3A : vector<1x128xf32> to vector<128x128xf32>
    %mul3A_33 = arith.mulf %mul3A_31, %mul3A_32 : vector<128x128xf32>
    %slice3A_34 = vector.extract_strided_slice %transpose3A {offsets = [0, 5], sizes = [128, 1], strides = [1, 1]} : vector<128x50xf32> to vector<128x1xf32>
    %mul3A_35 = vector.broadcast %slice3A_34 : vector<128x1xf32> to vector<128x128xf32>
    %mul3A_36 = vector.broadcast %sub3A : vector<1x128xf32> to vector<128x128xf32>
    %mul3A_37 = arith.mulf %mul3A_35, %mul3A_36 : vector<128x128xf32>
    %slice3A_38 = vector.extract_strided_slice %transpose3A {offsets = [0, 6], sizes = [128, 1], strides = [1, 1]} : vector<128x50xf32> to vector<128x1xf32>
    %mul3A_39 = vector.broadcast %slice3A_38 : vector<128x1xf32> to vector<128x128xf32>
    %mul3A_40 = vector.broadcast %sub3A : vector<1x128xf32> to vector<128x128xf32>
    %mul3A_41 = arith.mulf %mul3A_39, %mul3A_40 : vector<128x128xf32>
    %slice3A_42 = vector.extract_strided_slice %transpose3A {offsets = [0, 7], sizes = [128, 1], strides = [1, 1]} : vector<128x50xf32> to vector<128x1xf32>
    %mul3A_43 = vector.broadcast %slice3A_42 : vector<128x1xf32> to vector<128x128xf32>
    %mul3A_44 = vector.broadcast %sub3A : vector<1x128xf32> to vector<128x128xf32>
    %mul3A_45 = arith.mulf %mul3A_43, %mul3A_44 : vector<128x128xf32>
    %slice3A_46 = vector.extract_strided_slice %transpose3A {offsets = [0, 8], sizes = [128, 1], strides = [1, 1]} : vector<128x50xf32> to vector<128x1xf32>
    %mul3A_47 = vector.broadcast %slice3A_46 : vector<128x1xf32> to vector<128x128xf32>
    %mul3A_48 = vector.broadcast %sub3A : vector<1x128xf32> to vector<128x128xf32>
    %mul3A_49 = arith.mulf %mul3A_47, %mul3A_48 : vector<128x128xf32>
    %slice3A_50 = vector.extract_strided_slice %transpose3A {offsets = [0, 9], sizes = [128, 1], strides = [1, 1]} : vector<128x50xf32> to vector<128x1xf32>
    %mul3A_51 = vector.broadcast %slice3A_50 : vector<128x1xf32> to vector<128x128xf32>
    %mul3A_52 = vector.broadcast %sub3A : vector<1x128xf32> to vector<128x128xf32>
    %mul3A_53 = arith.mulf %mul3A_51, %mul3A_52 : vector<128x128xf32>
    %slice3A_54 = vector.extract_strided_slice %transpose3A {offsets = [0, 10], sizes = [128, 1], strides = [1, 1]} : vector<128x50xf32> to vector<128x1xf32>
    %mul3A_55 = vector.broadcast %slice3A_54 : vector<128x1xf32> to vector<128x128xf32>
    %mul3A_56 = vector.broadcast %sub3A : vector<1x128xf32> to vector<128x128xf32>
    %mul3A_57 = arith.mulf %mul3A_55, %mul3A_56 : vector<128x128xf32>
    %slice3A_58 = vector.extract_strided_slice %transpose3A {offsets = [0, 11], sizes = [128, 1], strides = [1, 1]} : vector<128x50xf32> to vector<128x1xf32>
    %mul3A_59 = vector.broadcast %slice3A_58 : vector<128x1xf32> to vector<128x128xf32>
    %mul3A_60 = vector.broadcast %sub3A : vector<1x128xf32> to vector<128x128xf32>
    %mul3A_61 = arith.mulf %mul3A_59, %mul3A_60 : vector<128x128xf32>
    %slice3A_62 = vector.extract_strided_slice %transpose3A {offsets = [0, 12], sizes = [128, 1], strides = [1, 1]} : vector<128x50xf32> to vector<128x1xf32>
    %mul3A_63 = vector.broadcast %slice3A_62 : vector<128x1xf32> to vector<128x128xf32>
    %mul3A_64 = vector.broadcast %sub3A : vector<1x128xf32> to vector<128x128xf32>
    %mul3A_65 = arith.mulf %mul3A_63, %mul3A_64 : vector<128x128xf32>
    %slice3A_66 = vector.extract_strided_slice %transpose3A {offsets = [0, 13], sizes = [128, 1], strides = [1, 1]} : vector<128x50xf32> to vector<128x1xf32>
    %mul3A_67 = vector.broadcast %slice3A_66 : vector<128x1xf32> to vector<128x128xf32>
    %mul3A_68 = vector.broadcast %sub3A : vector<1x128xf32> to vector<128x128xf32>
    %mul3A_69 = arith.mulf %mul3A_67, %mul3A_68 : vector<128x128xf32>
    %slice3A_70 = vector.extract_strided_slice %transpose3A {offsets = [0, 14], sizes = [128, 1], strides = [1, 1]} : vector<128x50xf32> to vector<128x1xf32>
    %mul3A_71 = vector.broadcast %slice3A_70 : vector<128x1xf32> to vector<128x128xf32>
    %mul3A_72 = vector.broadcast %sub3A : vector<1x128xf32> to vector<128x128xf32>
    %mul3A_73 = arith.mulf %mul3A_71, %mul3A_72 : vector<128x128xf32>
    %slice3A_74 = vector.extract_strided_slice %transpose3A {offsets = [0, 15], sizes = [128, 1], strides = [1, 1]} : vector<128x50xf32> to vector<128x1xf32>
    %mul3A_75 = vector.broadcast %slice3A_74 : vector<128x1xf32> to vector<128x128xf32>
    %mul3A_76 = vector.broadcast %sub3A : vector<1x128xf32> to vector<128x128xf32>
    %mul3A_77 = arith.mulf %mul3A_75, %mul3A_76 : vector<128x128xf32>
    %slice3A_78 = vector.extract_strided_slice %transpose3A {offsets = [0, 16], sizes = [128, 1], strides = [1, 1]} : vector<128x50xf32> to vector<128x1xf32>
    %mul3A_79 = vector.broadcast %slice3A_78 : vector<128x1xf32> to vector<128x128xf32>
    %mul3A_80 = vector.broadcast %sub3A : vector<1x128xf32> to vector<128x128xf32>
    %mul3A_81 = arith.mulf %mul3A_79, %mul3A_80 : vector<128x128xf32>
    %slice3A_82 = vector.extract_strided_slice %transpose3A {offsets = [0, 17], sizes = [128, 1], strides = [1, 1]} : vector<128x50xf32> to vector<128x1xf32>
    %mul3A_83 = vector.broadcast %slice3A_82 : vector<128x1xf32> to vector<128x128xf32>
    %mul3A_84 = vector.broadcast %sub3A : vector<1x128xf32> to vector<128x128xf32>
    %mul3A_85 = arith.mulf %mul3A_83, %mul3A_84 : vector<128x128xf32>
    %slice3A_86 = vector.extract_strided_slice %transpose3A {offsets = [0, 18], sizes = [128, 1], strides = [1, 1]} : vector<128x50xf32> to vector<128x1xf32>
    %mul3A_87 = vector.broadcast %slice3A_86 : vector<128x1xf32> to vector<128x128xf32>
    %mul3A_88 = vector.broadcast %sub3A : vector<1x128xf32> to vector<128x128xf32>
    %mul3A_89 = arith.mulf %mul3A_87, %mul3A_88 : vector<128x128xf32>
    %slice3A_90 = vector.extract_strided_slice %transpose3A {offsets = [0, 19], sizes = [128, 1], strides = [1, 1]} : vector<128x50xf32> to vector<128x1xf32>
    %mul3A_91 = vector.broadcast %slice3A_90 : vector<128x1xf32> to vector<128x128xf32>
    %mul3A_92 = vector.broadcast %sub3A : vector<1x128xf32> to vector<128x128xf32>
    %mul3A_93 = arith.mulf %mul3A_91, %mul3A_92 : vector<128x128xf32>
    %slice3A_94 = vector.extract_strided_slice %transpose3A {offsets = [0, 20], sizes = [128, 1], strides = [1, 1]} : vector<128x50xf32> to vector<128x1xf32>
    %mul3A_95 = vector.broadcast %slice3A_94 : vector<128x1xf32> to vector<128x128xf32>
    %mul3A_96 = vector.broadcast %sub3A : vector<1x128xf32> to vector<128x128xf32>
    %mul3A_97 = arith.mulf %mul3A_95, %mul3A_96 : vector<128x128xf32>
    %slice3A_98 = vector.extract_strided_slice %transpose3A {offsets = [0, 21], sizes = [128, 1], strides = [1, 1]} : vector<128x50xf32> to vector<128x1xf32>
    %mul3A_99 = vector.broadcast %slice3A_98 : vector<128x1xf32> to vector<128x128xf32>
    %mul3A_100 = vector.broadcast %sub3A : vector<1x128xf32> to vector<128x128xf32>
    %mul3A_101 = arith.mulf %mul3A_99, %mul3A_100 : vector<128x128xf32>
    %slice3A_102 = vector.extract_strided_slice %transpose3A {offsets = [0, 22], sizes = [128, 1], strides = [1, 1]} : vector<128x50xf32> to vector<128x1xf32>
    %mul3A_103 = vector.broadcast %slice3A_102 : vector<128x1xf32> to vector<128x128xf32>
    %mul3A_104 = vector.broadcast %sub3A : vector<1x128xf32> to vector<128x128xf32>
    %mul3A_105 = arith.mulf %mul3A_103, %mul3A_104 : vector<128x128xf32>
    %slice3A_106 = vector.extract_strided_slice %transpose3A {offsets = [0, 23], sizes = [128, 1], strides = [1, 1]} : vector<128x50xf32> to vector<128x1xf32>
    %mul3A_107 = vector.broadcast %slice3A_106 : vector<128x1xf32> to vector<128x128xf32>
    %mul3A_108 = vector.broadcast %sub3A : vector<1x128xf32> to vector<128x128xf32>
    %mul3A_109 = arith.mulf %mul3A_107, %mul3A_108 : vector<128x128xf32>
    %slice3A_110 = vector.extract_strided_slice %transpose3A {offsets = [0, 24], sizes = [128, 1], strides = [1, 1]} : vector<128x50xf32> to vector<128x1xf32>
    %mul3A_111 = vector.broadcast %slice3A_110 : vector<128x1xf32> to vector<128x128xf32>
    %mul3A_112 = vector.broadcast %sub3A : vector<1x128xf32> to vector<128x128xf32>
    %mul3A_113 = arith.mulf %mul3A_111, %mul3A_112 : vector<128x128xf32>
    %slice3A_114 = vector.extract_strided_slice %transpose3A {offsets = [0, 25], sizes = [128, 1], strides = [1, 1]} : vector<128x50xf32> to vector<128x1xf32>
    %mul3A_115 = vector.broadcast %slice3A_114 : vector<128x1xf32> to vector<128x128xf32>
    %mul3A_116 = vector.broadcast %sub3A : vector<1x128xf32> to vector<128x128xf32>
    %mul3A_117 = arith.mulf %mul3A_115, %mul3A_116 : vector<128x128xf32>
    %slice3A_118 = vector.extract_strided_slice %transpose3A {offsets = [0, 26], sizes = [128, 1], strides = [1, 1]} : vector<128x50xf32> to vector<128x1xf32>
    %mul3A_119 = vector.broadcast %slice3A_118 : vector<128x1xf32> to vector<128x128xf32>
    %mul3A_120 = vector.broadcast %sub3A : vector<1x128xf32> to vector<128x128xf32>
    %mul3A_121 = arith.mulf %mul3A_119, %mul3A_120 : vector<128x128xf32>
    %slice3A_122 = vector.extract_strided_slice %transpose3A {offsets = [0, 27], sizes = [128, 1], strides = [1, 1]} : vector<128x50xf32> to vector<128x1xf32>
    %mul3A_123 = vector.broadcast %slice3A_122 : vector<128x1xf32> to vector<128x128xf32>
    %mul3A_124 = vector.broadcast %sub3A : vector<1x128xf32> to vector<128x128xf32>
    %mul3A_125 = arith.mulf %mul3A_123, %mul3A_124 : vector<128x128xf32>
    %slice3A_126 = vector.extract_strided_slice %transpose3A {offsets = [0, 28], sizes = [128, 1], strides = [1, 1]} : vector<128x50xf32> to vector<128x1xf32>
    %mul3A_127 = vector.broadcast %slice3A_126 : vector<128x1xf32> to vector<128x128xf32>
    %mul3A_128 = vector.broadcast %sub3A : vector<1x128xf32> to vector<128x128xf32>
    %mul3A_129 = arith.mulf %mul3A_127, %mul3A_128 : vector<128x128xf32>
    %slice3A_130 = vector.extract_strided_slice %transpose3A {offsets = [0, 29], sizes = [128, 1], strides = [1, 1]} : vector<128x50xf32> to vector<128x1xf32>
    %mul3A_131 = vector.broadcast %slice3A_130 : vector<128x1xf32> to vector<128x128xf32>
    %mul3A_132 = vector.broadcast %sub3A : vector<1x128xf32> to vector<128x128xf32>
    %mul3A_133 = arith.mulf %mul3A_131, %mul3A_132 : vector<128x128xf32>
    %slice3A_134 = vector.extract_strided_slice %transpose3A {offsets = [0, 30], sizes = [128, 1], strides = [1, 1]} : vector<128x50xf32> to vector<128x1xf32>
    %mul3A_135 = vector.broadcast %slice3A_134 : vector<128x1xf32> to vector<128x128xf32>
    %mul3A_136 = vector.broadcast %sub3A : vector<1x128xf32> to vector<128x128xf32>
    %mul3A_137 = arith.mulf %mul3A_135, %mul3A_136 : vector<128x128xf32>
    %slice3A_138 = vector.extract_strided_slice %transpose3A {offsets = [0, 31], sizes = [128, 1], strides = [1, 1]} : vector<128x50xf32> to vector<128x1xf32>
    %mul3A_139 = vector.broadcast %slice3A_138 : vector<128x1xf32> to vector<128x128xf32>
    %mul3A_140 = vector.broadcast %sub3A : vector<1x128xf32> to vector<128x128xf32>
    %mul3A_141 = arith.mulf %mul3A_139, %mul3A_140 : vector<128x128xf32>
    %slice3A_142 = vector.extract_strided_slice %transpose3A {offsets = [0, 32], sizes = [128, 1], strides = [1, 1]} : vector<128x50xf32> to vector<128x1xf32>
    %mul3A_143 = vector.broadcast %slice3A_142 : vector<128x1xf32> to vector<128x128xf32>
    %mul3A_144 = vector.broadcast %sub3A : vector<1x128xf32> to vector<128x128xf32>
    %mul3A_145 = arith.mulf %mul3A_143, %mul3A_144 : vector<128x128xf32>
    %slice3A_146 = vector.extract_strided_slice %transpose3A {offsets = [0, 33], sizes = [128, 1], strides = [1, 1]} : vector<128x50xf32> to vector<128x1xf32>
    %mul3A_147 = vector.broadcast %slice3A_146 : vector<128x1xf32> to vector<128x128xf32>
    %mul3A_148 = vector.broadcast %sub3A : vector<1x128xf32> to vector<128x128xf32>
    %mul3A_149 = arith.mulf %mul3A_147, %mul3A_148 : vector<128x128xf32>
    %slice3A_150 = vector.extract_strided_slice %transpose3A {offsets = [0, 34], sizes = [128, 1], strides = [1, 1]} : vector<128x50xf32> to vector<128x1xf32>
    %mul3A_151 = vector.broadcast %slice3A_150 : vector<128x1xf32> to vector<128x128xf32>
    %mul3A_152 = vector.broadcast %sub3A : vector<1x128xf32> to vector<128x128xf32>
    %mul3A_153 = arith.mulf %mul3A_151, %mul3A_152 : vector<128x128xf32>
    %slice3A_154 = vector.extract_strided_slice %transpose3A {offsets = [0, 35], sizes = [128, 1], strides = [1, 1]} : vector<128x50xf32> to vector<128x1xf32>
    %mul3A_155 = vector.broadcast %slice3A_154 : vector<128x1xf32> to vector<128x128xf32>
    %mul3A_156 = vector.broadcast %sub3A : vector<1x128xf32> to vector<128x128xf32>
    %mul3A_157 = arith.mulf %mul3A_155, %mul3A_156 : vector<128x128xf32>
    %slice3A_158 = vector.extract_strided_slice %transpose3A {offsets = [0, 36], sizes = [128, 1], strides = [1, 1]} : vector<128x50xf32> to vector<128x1xf32>
    %mul3A_159 = vector.broadcast %slice3A_158 : vector<128x1xf32> to vector<128x128xf32>
    %mul3A_160 = vector.broadcast %sub3A : vector<1x128xf32> to vector<128x128xf32>
    %mul3A_161 = arith.mulf %mul3A_159, %mul3A_160 : vector<128x128xf32>
    %slice3A_162 = vector.extract_strided_slice %transpose3A {offsets = [0, 37], sizes = [128, 1], strides = [1, 1]} : vector<128x50xf32> to vector<128x1xf32>
    %mul3A_163 = vector.broadcast %slice3A_162 : vector<128x1xf32> to vector<128x128xf32>
    %mul3A_164 = vector.broadcast %sub3A : vector<1x128xf32> to vector<128x128xf32>
    %mul3A_165 = arith.mulf %mul3A_163, %mul3A_164 : vector<128x128xf32>
    %slice3A_166 = vector.extract_strided_slice %transpose3A {offsets = [0, 38], sizes = [128, 1], strides = [1, 1]} : vector<128x50xf32> to vector<128x1xf32>
    %mul3A_167 = vector.broadcast %slice3A_166 : vector<128x1xf32> to vector<128x128xf32>
    %mul3A_168 = vector.broadcast %sub3A : vector<1x128xf32> to vector<128x128xf32>
    %mul3A_169 = arith.mulf %mul3A_167, %mul3A_168 : vector<128x128xf32>
    %slice3A_170 = vector.extract_strided_slice %transpose3A {offsets = [0, 39], sizes = [128, 1], strides = [1, 1]} : vector<128x50xf32> to vector<128x1xf32>
    %mul3A_171 = vector.broadcast %slice3A_170 : vector<128x1xf32> to vector<128x128xf32>
    %mul3A_172 = vector.broadcast %sub3A : vector<1x128xf32> to vector<128x128xf32>
    %mul3A_173 = arith.mulf %mul3A_171, %mul3A_172 : vector<128x128xf32>
    %slice3A_174 = vector.extract_strided_slice %transpose3A {offsets = [0, 40], sizes = [128, 1], strides = [1, 1]} : vector<128x50xf32> to vector<128x1xf32>
    %mul3A_175 = vector.broadcast %slice3A_174 : vector<128x1xf32> to vector<128x128xf32>
    %mul3A_176 = vector.broadcast %sub3A : vector<1x128xf32> to vector<128x128xf32>
    %mul3A_177 = arith.mulf %mul3A_175, %mul3A_176 : vector<128x128xf32>
    %slice3A_178 = vector.extract_strided_slice %transpose3A {offsets = [0, 41], sizes = [128, 1], strides = [1, 1]} : vector<128x50xf32> to vector<128x1xf32>
    %mul3A_179 = vector.broadcast %slice3A_178 : vector<128x1xf32> to vector<128x128xf32>
    %mul3A_180 = vector.broadcast %sub3A : vector<1x128xf32> to vector<128x128xf32>
    %mul3A_181 = arith.mulf %mul3A_179, %mul3A_180 : vector<128x128xf32>
    %slice3A_182 = vector.extract_strided_slice %transpose3A {offsets = [0, 42], sizes = [128, 1], strides = [1, 1]} : vector<128x50xf32> to vector<128x1xf32>
    %mul3A_183 = vector.broadcast %slice3A_182 : vector<128x1xf32> to vector<128x128xf32>
    %mul3A_184 = vector.broadcast %sub3A : vector<1x128xf32> to vector<128x128xf32>
    %mul3A_185 = arith.mulf %mul3A_183, %mul3A_184 : vector<128x128xf32>
    %slice3A_186 = vector.extract_strided_slice %transpose3A {offsets = [0, 43], sizes = [128, 1], strides = [1, 1]} : vector<128x50xf32> to vector<128x1xf32>
    %mul3A_187 = vector.broadcast %slice3A_186 : vector<128x1xf32> to vector<128x128xf32>
    %mul3A_188 = vector.broadcast %sub3A : vector<1x128xf32> to vector<128x128xf32>
    %mul3A_189 = arith.mulf %mul3A_187, %mul3A_188 : vector<128x128xf32>
    %slice3A_190 = vector.extract_strided_slice %transpose3A {offsets = [0, 44], sizes = [128, 1], strides = [1, 1]} : vector<128x50xf32> to vector<128x1xf32>
    %mul3A_191 = vector.broadcast %slice3A_190 : vector<128x1xf32> to vector<128x128xf32>
    %mul3A_192 = vector.broadcast %sub3A : vector<1x128xf32> to vector<128x128xf32>
    %mul3A_193 = arith.mulf %mul3A_191, %mul3A_192 : vector<128x128xf32>
    %slice3A_194 = vector.extract_strided_slice %transpose3A {offsets = [0, 45], sizes = [128, 1], strides = [1, 1]} : vector<128x50xf32> to vector<128x1xf32>
    %mul3A_195 = vector.broadcast %slice3A_194 : vector<128x1xf32> to vector<128x128xf32>
    %mul3A_196 = vector.broadcast %sub3A : vector<1x128xf32> to vector<128x128xf32>
    %mul3A_197 = arith.mulf %mul3A_195, %mul3A_196 : vector<128x128xf32>
    %slice3A_198 = vector.extract_strided_slice %transpose3A {offsets = [0, 46], sizes = [128, 1], strides = [1, 1]} : vector<128x50xf32> to vector<128x1xf32>
    %mul3A_199 = vector.broadcast %slice3A_198 : vector<128x1xf32> to vector<128x128xf32>
    %mul3A_200 = vector.broadcast %sub3A : vector<1x128xf32> to vector<128x128xf32>
    %mul3A_201 = arith.mulf %mul3A_199, %mul3A_200 : vector<128x128xf32>
    %slice3A_202 = vector.extract_strided_slice %transpose3A {offsets = [0, 47], sizes = [128, 1], strides = [1, 1]} : vector<128x50xf32> to vector<128x1xf32>
    %mul3A_203 = vector.broadcast %slice3A_202 : vector<128x1xf32> to vector<128x128xf32>
    %mul3A_204 = vector.broadcast %sub3A : vector<1x128xf32> to vector<128x128xf32>
    %mul3A_205 = arith.mulf %mul3A_203, %mul3A_204 : vector<128x128xf32>
    %slice3A_206 = vector.extract_strided_slice %transpose3A {offsets = [0, 48], sizes = [128, 1], strides = [1, 1]} : vector<128x50xf32> to vector<128x1xf32>
    %mul3A_207 = vector.broadcast %slice3A_206 : vector<128x1xf32> to vector<128x128xf32>
    %mul3A_208 = vector.broadcast %sub3A : vector<1x128xf32> to vector<128x128xf32>
    %mul3A_209 = arith.mulf %mul3A_207, %mul3A_208 : vector<128x128xf32>
    %slice3A_210 = vector.extract_strided_slice %transpose3A {offsets = [0, 49], sizes = [128, 1], strides = [1, 1]} : vector<128x50xf32> to vector<128x1xf32>
    %mul3A_211 = vector.broadcast %slice3A_210 : vector<128x1xf32> to vector<128x128xf32>
    %mul3A_212 = vector.broadcast %sub3A : vector<1x128xf32> to vector<128x128xf32>
    %mul3A_213 = arith.mulf %mul3A_211, %mul3A_212 : vector<128x128xf32>
    %concatenate3A = tpu.concatenate %mul3A_17, %mul3A_21, %mul3A_25, %mul3A_29, %mul3A_33, %mul3A_37, %mul3A_41, %mul3A_45, %mul3A_49, %mul3A_53, %mul3A_57, %mul3A_61, %mul3A_65, %mul3A_69, %mul3A_73, %mul3A_77, %mul3A_81, %mul3A_85, %mul3A_89, %mul3A_93, %mul3A_97, %mul3A_101, %mul3A_105, %mul3A_109, %mul3A_113, %mul3A_117, %mul3A_121, %mul3A_125, %mul3A_129, %mul3A_133, %mul3A_137, %mul3A_141, %mul3A_145, %mul3A_149, %mul3A_153, %mul3A_157, %mul3A_161, %mul3A_165, %mul3A_169, %mul3A_173, %mul3A_177, %mul3A_181, %mul3A_185, %mul3A_189, %mul3A_193, %mul3A_197, %mul3A_201, %mul3A_205, %mul3A_209, %mul3A_213 in 0 : vector<128x128xf32>, vector<128x128xf32>, vector<128x128xf32>, vector<128x128xf32>, vector<128x128xf32>, vector<128x128xf32>, vector<128x128xf32>, vector<128x128xf32>, vector<128x128xf32>, vector<128x128xf32>, vector<128x128xf32>, vector<128x128xf32>, vector<128x128xf32>, vector<128x128xf32>, vector<128x128xf32>, vector<128x128xf32>, vector<128x128xf32>, vector<128x128xf32>, vector<128x128xf32>, vector<128x128xf32>, vector<128x128xf32>, vector<128x128xf32>, vector<128x128xf32>, vector<128x128xf32>, vector<128x128xf32>, vector<128x128xf32>, vector<128x128xf32>, vector<128x128xf32>, vector<128x128xf32>, vector<128x128xf32>, vector<128x128xf32>, vector<128x128xf32>, vector<128x128xf32>, vector<128x128xf32>, vector<128x128xf32>, vector<128x128xf32>, vector<128x128xf32>, vector<128x128xf32>, vector<128x128xf32>, vector<128x128xf32>, vector<128x128xf32>, vector<128x128xf32>, vector<128x128xf32>, vector<128x128xf32>, vector<128x128xf32>, vector<128x128xf32>, vector<128x128xf32>, vector<128x128xf32>, vector<128x128xf32>, vector<128x128xf32> -> vector<6400x128xf32>
    %add3A_214 = vector.broadcast %get3A_7 : vector<1x128xf32> to vector<6400x128xf32>
    %add3A_215 = arith.addf %add3A, %add3A_214 : vector<6400x128xf32>
    %add3A_216 = arith.addf %add3A_215, %concatenate3A : vector<6400x128xf32>
    %reduce_sum3A = arith.constant dense<0.000000e+00> : vector<6400xf32>
    %reduce_sum3A_217 = vector.multi_reduction <add>, %add3A_216, %reduce_sum3A [1] : vector<6400x128xf32> to vector<6400xf32>
    %broadcast_in_dim3A = vector.shape_cast %reduce_sum3A_217 : vector<6400xf32> to vector<6400x1xf32>
    %mul3A_218 = arith.constant 7.812500e-03 : f32
    %mul3A_219 = vector.broadcast %mul3A_218 : f32 to vector<6400x1xf32>
    %mul3A_220 = arith.mulf %broadcast_in_dim3A, %mul3A_219 : vector<6400x1xf32>
    %mul3A_221 = arith.mulf %add3A_216, %add3A_216 : vector<6400x128xf32>
    %reduce_sum3A_222 = arith.constant dense<0.000000e+00> : vector<6400xf32>
    %reduce_sum3A_223 = vector.multi_reduction <add>, %mul3A_221, %reduce_sum3A_222 [1] : vector<6400x128xf32> to vector<6400xf32>
    %broadcast_in_dim3A_224 = vector.shape_cast %reduce_sum3A_223 : vector<6400xf32> to vector<6400x1xf32>
    %mul3A_225 = arith.constant 7.812500e-03 : f32
    %mul3A_226 = vector.broadcast %mul3A_225 : f32 to vector<6400x1xf32>
    %mul3A_227 = arith.mulf %broadcast_in_dim3A_224, %mul3A_226 : vector<6400x1xf32>
    %mul3A_228 = arith.mulf %mul3A_220, %mul3A_220 : vector<6400x1xf32>
    %sub3A_229 = arith.subf %mul3A_227, %mul3A_228 : vector<6400x1xf32>
    %add3A_230 = arith.constant 9.99999996E-13 : f32
    %add3A_231 = vector.broadcast %add3A_230 : f32 to vector<6400x1xf32>
    %add3A_232 = arith.addf %sub3A_229, %add3A_231 : vector<6400x1xf32>
    %rsqrt3A = math.rsqrt %add3A_232 : vector<6400x1xf32>
    %get3A_233 = arith.constant 0 : index
    %get3A_234 = arith.constant 0 : index
    %get3A_235 = vector.load %arg5[%get3A_233, %get3A_234] : memref<1x128xf32, #tpu.memory_space<vmem>>, vector<1x128xf32>
    %mul3A_236 = vector.broadcast %rsqrt3A : vector<6400x1xf32> to vector<6400x128xf32>
    %mul3A_237 = vector.broadcast %get3A_235 : vector<1x128xf32> to vector<6400x128xf32>
    %mul3A_238 = arith.mulf %mul3A_236, %mul3A_237 : vector<6400x128xf32>
    %sub3A_239 = vector.broadcast %mul3A_220 : vector<6400x1xf32> to vector<6400x128xf32>
    %sub3A_240 = arith.subf %add3A_216, %sub3A_239 : vector<6400x128xf32>
    %mul3A_241 = arith.mulf %sub3A_240, %mul3A_238 : vector<6400x128xf32>
    %get3A_242 = arith.constant 0 : index
    %get3A_243 = arith.constant 0 : index
    %get3A_244 = vector.load %arg6[%get3A_242, %get3A_243] : memref<1x128xf32, #tpu.memory_space<vmem>>, vector<1x128xf32>
    %add3A_245 = vector.broadcast %get3A_244 : vector<1x128xf32> to vector<6400x128xf32>
    %add3A_246 = arith.addf %mul3A_241, %add3A_245 : vector<6400x128xf32>
    %swap3A = arith.constant 0 : index
    %swap3A_247 = arith.constant 0 : index
    %swap3A_248 = vector.load %arg7[%swap3A, %swap3A_247] : memref<6400x128xf32, #tpu.memory_space<vmem>>, vector<6400x128xf32>
    tpu.vector_store %arg7[%swap3A, %swap3A_247], %add3A_246 {strides = array<i32>} : memref<6400x128xf32, #tpu.memory_space<vmem>>, vector<6400x128xf32>,
    return
  }
  func.func @transform_0(%arg0: i32) -> (i32, i32) {
    %c0_i32 = arith.constant 0 : i32
    %c0_i32_0 = arith.constant 0 : i32
    return %arg0, %c0_i32 : i32, i32
  }
  func.func @transform_1(%arg0: i32) -> (i32, i32, i32) {
    %add3A = arith.constant 0 : i32
    %add3A_0 = arith.addi %add3A, %arg0 : i32
    %c0_i32 = arith.constant 0 : i32
    %c0_i32_1 = arith.constant 0 : i32
    %c0_i32_2 = arith.constant 0 : i32
    return %add3A_0, %c0_i32, %c0_i32_1 : i32, i32, i32
  }
  func.func @transform_2(%arg0: i32) -> (i32, i32) {
    %c0_i32 = arith.constant 0 : i32
    %c0_i32_0 = arith.constant 0 : i32
    %c0_i32_1 = arith.constant 0 : i32
    return %c0_i32, %c0_i32_0 : i32, i32
  }
  func.func @transform_3(%arg0: i32) -> (i32, i32) {
    %c0_i32 = arith.constant 0 : i32
    %c0_i32_0 = arith.constant 0 : i32
    %c0_i32_1 = arith.constant 0 : i32
    return %c0_i32, %c0_i32_0 : i32, i32
  }
  func.func @transform_4(%arg0: i32) -> (i32, i32) {
    %c0_i32 = arith.constant 0 : i32
    %c0_i32_0 = arith.constant 0 : i32
    %c0_i32_1 = arith.constant 0 : i32
    return %c0_i32, %c0_i32_0 : i32, i32
  }
  func.func @transform_5(%arg0: i32) -> (i32, i32) {
    %c0_i32 = arith.constant 0 : i32
    %c0_i32_0 = arith.constant 0 : i32
    %c0_i32_1 = arith.constant 0 : i32
    return %c0_i32, %c0_i32_0 : i32, i32
  }
  func.func @transform_6(%arg0: i32) -> (i32, i32) {
    %add3A = arith.constant 0 : i32
    %add3A_0 = arith.addi %add3A, %arg0 : i32
    %c0_i32 = arith.constant 0 : i32
    %c0_i32_1 = arith.constant 0 : i32
    return %add3A_0, %c0_i32 : i32, i32
  }
}

module attributes {stable_mosaic.version = 14 : i64} {
  func.func @_ln_body_alias(%arg0: i32, %arg1: memref<6400x128xf32, #tpu.memory_space<vmem>>, %arg2: memref<1x50x128xf32, #tpu.memory_space<vmem>>, %arg3: memref<6400x128xf32, #tpu.memory_space<vmem>>, %arg4: memref<2x128xf32, #tpu.memory_space<vmem>>, %arg5: memref<1x128xf32, #tpu.memory_space<vmem>>, %arg6: memref<1x128xf32, #tpu.memory_space<vmem>>, %arg7: memref<204800x128xf32, #tpu.memory_space<any>>, %arg8: memref<6400x128xf32, #tpu.memory_space<vmem>>) attributes {dimension_semantics = [#tpu.dimension_semantics<arbitrary>], iteration_bounds = array<i64: 16>, scalar_prefetch = 0 : i64, scratch_operands = 0 : i64, tpu.core_type = #tpu.core_type<tc>, window_params = [{transform_indices = @transform_0, window_bounds = array<i64: 6400, 128>}, {transform_indices = @transform_1, window_bounds = array<i64: 1, 50, 128>}, {pipeline_mode = #tpu.pipeline_mode<synchronous>, transform_indices = @transform_2, window_bounds = array<i64: 6400, 128>}, {pipeline_mode = #tpu.pipeline_mode<synchronous>, transform_indices = @transform_3, window_bounds = array<i64: 2, 128>}, {pipeline_mode = #tpu.pipeline_mode<synchronous>, transform_indices = @transform_4, window_bounds = array<i64: 1, 128>}, {pipeline_mode = #tpu.pipeline_mode<synchronous>, transform_indices = @transform_5, window_bounds = array<i64: 1, 128>}, {}, {transform_indices = @transform_7, window_bounds = array<i64: 6400, 128>}]} {
    %get3A = arith.constant 0 : index
    %get3A_0 = arith.constant 0 : index
    %get3A_1 = vector.load %arg1[%get3A, %get3A_0] : memref<6400x128xf32, #tpu.memory_space<vmem>>, vector<6400x128xf32>
    %get3A_2 = arith.constant 0 : index
    %get3A_3 = arith.constant 0 : index
    %get3A_4 = vector.load %arg3[%get3A_2, %get3A_3] : memref<6400x128xf32, #tpu.memory_space<vmem>>, vector<6400x128xf32>
    %add3A = arith.addf %get3A_1, %get3A_4 : vector<6400x128xf32>
    %get3A_5 = arith.constant 0 : index
    %get3A_6 = arith.constant 0 : index
    %get3A_7 = vector.load %arg4[%get3A_5, %get3A_6] : memref<2x128xf32, #tpu.memory_space<vmem>>, vector<1x128xf32>
    %get3A_8 = arith.constant 1 : index
    %get3A_9 = arith.constant 0 : index
    %get3A_10 = vector.load %arg4[%get3A_8, %get3A_9] : memref<2x128xf32, #tpu.memory_space<vmem>>, vector<1x128xf32>
    %sub3A = arith.subf %get3A_10, %get3A_7 : vector<1x128xf32>
    %get3A_11 = arith.constant 0 : index
    %get3A_12 = arith.constant 0 : index
    %get3A_13 = arith.constant 0 : index
    %get3A_14 = vector.load %arg2[%get3A_11, %get3A_12, %get3A_13] : memref<1x50x128xf32, #tpu.memory_space<vmem>>, vector<1x50x128xf32>
    %get3A_15 = vector.shape_cast %get3A_14 : vector<1x50x128xf32> to vector<50x128xf32>
    %transpose3A = tpu.transpose %get3A_15, [1, 0] : vector<50x128xf32> -> vector<128x50xf32>
    %slice3A = vector.extract_strided_slice %transpose3A {offsets = [0, 0], sizes = [128, 1], strides = [1, 1]} : vector<128x50xf32> to vector<128x1xf32>
    %mul3A = vector.broadcast %slice3A : vector<128x1xf32> to vector<128x128xf32>
    %mul3A_16 = vector.broadcast %sub3A : vector<1x128xf32> to vector<128x128xf32>
    %mul3A_17 = arith.mulf %mul3A, %mul3A_16 : vector<128x128xf32>
    %slice3A_18 = vector.extract_strided_slice %transpose3A {offsets = [0, 1], sizes = [128, 1], strides = [1, 1]} : vector<128x50xf32> to vector<128x1xf32>
    %mul3A_19 = vector.broadcast %slice3A_18 : vector<128x1xf32> to vector<128x128xf32>
    %mul3A_20 = vector.broadcast %sub3A : vector<1x128xf32> to vector<128x128xf32>
    %mul3A_21 = arith.mulf %mul3A_19, %mul3A_20 : vector<128x128xf32>
    %slice3A_22 = vector.extract_strided_slice %transpose3A {offsets = [0, 2], sizes = [128, 1], strides = [1, 1]} : vector<128x50xf32> to vector<128x1xf32>
    %mul3A_23 = vector.broadcast %slice3A_22 : vector<128x1xf32> to vector<128x128xf32>
    %mul3A_24 = vector.broadcast %sub3A : vector<1x128xf32> to vector<128x128xf32>
    %mul3A_25 = arith.mulf %mul3A_23, %mul3A_24 : vector<128x128xf32>
    %slice3A_26 = vector.extract_strided_slice %transpose3A {offsets = [0, 3], sizes = [128, 1], strides = [1, 1]} : vector<128x50xf32> to vector<128x1xf32>
    %mul3A_27 = vector.broadcast %slice3A_26 : vector<128x1xf32> to vector<128x128xf32>
    %mul3A_28 = vector.broadcast %sub3A : vector<1x128xf32> to vector<128x128xf32>
    %mul3A_29 = arith.mulf %mul3A_27, %mul3A_28 : vector<128x128xf32>
    %slice3A_30 = vector.extract_strided_slice %transpose3A {offsets = [0, 4], sizes = [128, 1], strides = [1, 1]} : vector<128x50xf32> to vector<128x1xf32>
    %mul3A_31 = vector.broadcast %slice3A_30 : vector<128x1xf32> to vector<128x128xf32>
    %mul3A_32 = vector.broadcast %sub3A : vector<1x128xf32> to vector<128x128xf32>
    %mul3A_33 = arith.mulf %mul3A_31, %mul3A_32 : vector<128x128xf32>
    %slice3A_34 = vector.extract_strided_slice %transpose3A {offsets = [0, 5], sizes = [128, 1], strides = [1, 1]} : vector<128x50xf32> to vector<128x1xf32>
    %mul3A_35 = vector.broadcast %slice3A_34 : vector<128x1xf32> to vector<128x128xf32>
    %mul3A_36 = vector.broadcast %sub3A : vector<1x128xf32> to vector<128x128xf32>
    %mul3A_37 = arith.mulf %mul3A_35, %mul3A_36 : vector<128x128xf32>
    %slice3A_38 = vector.extract_strided_slice %transpose3A {offsets = [0, 6], sizes = [128, 1], strides = [1, 1]} : vector<128x50xf32> to vector<128x1xf32>
    %mul3A_39 = vector.broadcast %slice3A_38 : vector<128x1xf32> to vector<128x128xf32>
    %mul3A_40 = vector.broadcast %sub3A : vector<1x128xf32> to vector<128x128xf32>
    %mul3A_41 = arith.mulf %mul3A_39, %mul3A_40 : vector<128x128xf32>
    %slice3A_42 = vector.extract_strided_slice %transpose3A {offsets = [0, 7], sizes = [128, 1], strides = [1, 1]} : vector<128x50xf32> to vector<128x1xf32>
    %mul3A_43 = vector.broadcast %slice3A_42 : vector<128x1xf32> to vector<128x128xf32>
    %mul3A_44 = vector.broadcast %sub3A : vector<1x128xf32> to vector<128x128xf32>
    %mul3A_45 = arith.mulf %mul3A_43, %mul3A_44 : vector<128x128xf32>
    %slice3A_46 = vector.extract_strided_slice %transpose3A {offsets = [0, 8], sizes = [128, 1], strides = [1, 1]} : vector<128x50xf32> to vector<128x1xf32>
    %mul3A_47 = vector.broadcast %slice3A_46 : vector<128x1xf32> to vector<128x128xf32>
    %mul3A_48 = vector.broadcast %sub3A : vector<1x128xf32> to vector<128x128xf32>
    %mul3A_49 = arith.mulf %mul3A_47, %mul3A_48 : vector<128x128xf32>
    %slice3A_50 = vector.extract_strided_slice %transpose3A {offsets = [0, 9], sizes = [128, 1], strides = [1, 1]} : vector<128x50xf32> to vector<128x1xf32>
    %mul3A_51 = vector.broadcast %slice3A_50 : vector<128x1xf32> to vector<128x128xf32>
    %mul3A_52 = vector.broadcast %sub3A : vector<1x128xf32> to vector<128x128xf32>
    %mul3A_53 = arith.mulf %mul3A_51, %mul3A_52 : vector<128x128xf32>
    %slice3A_54 = vector.extract_strided_slice %transpose3A {offsets = [0, 10], sizes = [128, 1], strides = [1, 1]} : vector<128x50xf32> to vector<128x1xf32>
    %mul3A_55 = vector.broadcast %slice3A_54 : vector<128x1xf32> to vector<128x128xf32>
    %mul3A_56 = vector.broadcast %sub3A : vector<1x128xf32> to vector<128x128xf32>
    %mul3A_57 = arith.mulf %mul3A_55, %mul3A_56 : vector<128x128xf32>
    %slice3A_58 = vector.extract_strided_slice %transpose3A {offsets = [0, 11], sizes = [128, 1], strides = [1, 1]} : vector<128x50xf32> to vector<128x1xf32>
    %mul3A_59 = vector.broadcast %slice3A_58 : vector<128x1xf32> to vector<128x128xf32>
    %mul3A_60 = vector.broadcast %sub3A : vector<1x128xf32> to vector<128x128xf32>
    %mul3A_61 = arith.mulf %mul3A_59, %mul3A_60 : vector<128x128xf32>
    %slice3A_62 = vector.extract_strided_slice %transpose3A {offsets = [0, 12], sizes = [128, 1], strides = [1, 1]} : vector<128x50xf32> to vector<128x1xf32>
    %mul3A_63 = vector.broadcast %slice3A_62 : vector<128x1xf32> to vector<128x128xf32>
    %mul3A_64 = vector.broadcast %sub3A : vector<1x128xf32> to vector<128x128xf32>
    %mul3A_65 = arith.mulf %mul3A_63, %mul3A_64 : vector<128x128xf32>
    %slice3A_66 = vector.extract_strided_slice %transpose3A {offsets = [0, 13], sizes = [128, 1], strides = [1, 1]} : vector<128x50xf32> to vector<128x1xf32>
    %mul3A_67 = vector.broadcast %slice3A_66 : vector<128x1xf32> to vector<128x128xf32>
    %mul3A_68 = vector.broadcast %sub3A : vector<1x128xf32> to vector<128x128xf32>
    %mul3A_69 = arith.mulf %mul3A_67, %mul3A_68 : vector<128x128xf32>
    %slice3A_70 = vector.extract_strided_slice %transpose3A {offsets = [0, 14], sizes = [128, 1], strides = [1, 1]} : vector<128x50xf32> to vector<128x1xf32>
    %mul3A_71 = vector.broadcast %slice3A_70 : vector<128x1xf32> to vector<128x128xf32>
    %mul3A_72 = vector.broadcast %sub3A : vector<1x128xf32> to vector<128x128xf32>
    %mul3A_73 = arith.mulf %mul3A_71, %mul3A_72 : vector<128x128xf32>
    %slice3A_74 = vector.extract_strided_slice %transpose3A {offsets = [0, 15], sizes = [128, 1], strides = [1, 1]} : vector<128x50xf32> to vector<128x1xf32>
    %mul3A_75 = vector.broadcast %slice3A_74 : vector<128x1xf32> to vector<128x128xf32>
    %mul3A_76 = vector.broadcast %sub3A : vector<1x128xf32> to vector<128x128xf32>
    %mul3A_77 = arith.mulf %mul3A_75, %mul3A_76 : vector<128x128xf32>
    %slice3A_78 = vector.extract_strided_slice %transpose3A {offsets = [0, 16], sizes = [128, 1], strides = [1, 1]} : vector<128x50xf32> to vector<128x1xf32>
    %mul3A_79 = vector.broadcast %slice3A_78 : vector<128x1xf32> to vector<128x128xf32>
    %mul3A_80 = vector.broadcast %sub3A : vector<1x128xf32> to vector<128x128xf32>
    %mul3A_81 = arith.mulf %mul3A_79, %mul3A_80 : vector<128x128xf32>
    %slice3A_82 = vector.extract_strided_slice %transpose3A {offsets = [0, 17], sizes = [128, 1], strides = [1, 1]} : vector<128x50xf32> to vector<128x1xf32>
    %mul3A_83 = vector.broadcast %slice3A_82 : vector<128x1xf32> to vector<128x128xf32>
    %mul3A_84 = vector.broadcast %sub3A : vector<1x128xf32> to vector<128x128xf32>
    %mul3A_85 = arith.mulf %mul3A_83, %mul3A_84 : vector<128x128xf32>
    %slice3A_86 = vector.extract_strided_slice %transpose3A {offsets = [0, 18], sizes = [128, 1], strides = [1, 1]} : vector<128x50xf32> to vector<128x1xf32>
    %mul3A_87 = vector.broadcast %slice3A_86 : vector<128x1xf32> to vector<128x128xf32>
    %mul3A_88 = vector.broadcast %sub3A : vector<1x128xf32> to vector<128x128xf32>
    %mul3A_89 = arith.mulf %mul3A_87, %mul3A_88 : vector<128x128xf32>
    %slice3A_90 = vector.extract_strided_slice %transpose3A {offsets = [0, 19], sizes = [128, 1], strides = [1, 1]} : vector<128x50xf32> to vector<128x1xf32>
    %mul3A_91 = vector.broadcast %slice3A_90 : vector<128x1xf32> to vector<128x128xf32>
    %mul3A_92 = vector.broadcast %sub3A : vector<1x128xf32> to vector<128x128xf32>
    %mul3A_93 = arith.mulf %mul3A_91, %mul3A_92 : vector<128x128xf32>
    %slice3A_94 = vector.extract_strided_slice %transpose3A {offsets = [0, 20], sizes = [128, 1], strides = [1, 1]} : vector<128x50xf32> to vector<128x1xf32>
    %mul3A_95 = vector.broadcast %slice3A_94 : vector<128x1xf32> to vector<128x128xf32>
    %mul3A_96 = vector.broadcast %sub3A : vector<1x128xf32> to vector<128x128xf32>
    %mul3A_97 = arith.mulf %mul3A_95, %mul3A_96 : vector<128x128xf32>
    %slice3A_98 = vector.extract_strided_slice %transpose3A {offsets = [0, 21], sizes = [128, 1], strides = [1, 1]} : vector<128x50xf32> to vector<128x1xf32>
    %mul3A_99 = vector.broadcast %slice3A_98 : vector<128x1xf32> to vector<128x128xf32>
    %mul3A_100 = vector.broadcast %sub3A : vector<1x128xf32> to vector<128x128xf32>
    %mul3A_101 = arith.mulf %mul3A_99, %mul3A_100 : vector<128x128xf32>
    %slice3A_102 = vector.extract_strided_slice %transpose3A {offsets = [0, 22], sizes = [128, 1], strides = [1, 1]} : vector<128x50xf32> to vector<128x1xf32>
    %mul3A_103 = vector.broadcast %slice3A_102 : vector<128x1xf32> to vector<128x128xf32>
    %mul3A_104 = vector.broadcast %sub3A : vector<1x128xf32> to vector<128x128xf32>
    %mul3A_105 = arith.mulf %mul3A_103, %mul3A_104 : vector<128x128xf32>
    %slice3A_106 = vector.extract_strided_slice %transpose3A {offsets = [0, 23], sizes = [128, 1], strides = [1, 1]} : vector<128x50xf32> to vector<128x1xf32>
    %mul3A_107 = vector.broadcast %slice3A_106 : vector<128x1xf32> to vector<128x128xf32>
    %mul3A_108 = vector.broadcast %sub3A : vector<1x128xf32> to vector<128x128xf32>
    %mul3A_109 = arith.mulf %mul3A_107, %mul3A_108 : vector<128x128xf32>
    %slice3A_110 = vector.extract_strided_slice %transpose3A {offsets = [0, 24], sizes = [128, 1], strides = [1, 1]} : vector<128x50xf32> to vector<128x1xf32>
    %mul3A_111 = vector.broadcast %slice3A_110 : vector<128x1xf32> to vector<128x128xf32>
    %mul3A_112 = vector.broadcast %sub3A : vector<1x128xf32> to vector<128x128xf32>
    %mul3A_113 = arith.mulf %mul3A_111, %mul3A_112 : vector<128x128xf32>
    %slice3A_114 = vector.extract_strided_slice %transpose3A {offsets = [0, 25], sizes = [128, 1], strides = [1, 1]} : vector<128x50xf32> to vector<128x1xf32>
    %mul3A_115 = vector.broadcast %slice3A_114 : vector<128x1xf32> to vector<128x128xf32>
    %mul3A_116 = vector.broadcast %sub3A : vector<1x128xf32> to vector<128x128xf32>
    %mul3A_117 = arith.mulf %mul3A_115, %mul3A_116 : vector<128x128xf32>
    %slice3A_118 = vector.extract_strided_slice %transpose3A {offsets = [0, 26], sizes = [128, 1], strides = [1, 1]} : vector<128x50xf32> to vector<128x1xf32>
    %mul3A_119 = vector.broadcast %slice3A_118 : vector<128x1xf32> to vector<128x128xf32>
    %mul3A_120 = vector.broadcast %sub3A : vector<1x128xf32> to vector<128x128xf32>
    %mul3A_121 = arith.mulf %mul3A_119, %mul3A_120 : vector<128x128xf32>
    %slice3A_122 = vector.extract_strided_slice %transpose3A {offsets = [0, 27], sizes = [128, 1], strides = [1, 1]} : vector<128x50xf32> to vector<128x1xf32>
    %mul3A_123 = vector.broadcast %slice3A_122 : vector<128x1xf32> to vector<128x128xf32>
    %mul3A_124 = vector.broadcast %sub3A : vector<1x128xf32> to vector<128x128xf32>
    %mul3A_125 = arith.mulf %mul3A_123, %mul3A_124 : vector<128x128xf32>
    %slice3A_126 = vector.extract_strided_slice %transpose3A {offsets = [0, 28], sizes = [128, 1], strides = [1, 1]} : vector<128x50xf32> to vector<128x1xf32>
    %mul3A_127 = vector.broadcast %slice3A_126 : vector<128x1xf32> to vector<128x128xf32>
    %mul3A_128 = vector.broadcast %sub3A : vector<1x128xf32> to vector<128x128xf32>
    %mul3A_129 = arith.mulf %mul3A_127, %mul3A_128 : vector<128x128xf32>
    %slice3A_130 = vector.extract_strided_slice %transpose3A {offsets = [0, 29], sizes = [128, 1], strides = [1, 1]} : vector<128x50xf32> to vector<128x1xf32>
    %mul3A_131 = vector.broadcast %slice3A_130 : vector<128x1xf32> to vector<128x128xf32>
    %mul3A_132 = vector.broadcast %sub3A : vector<1x128xf32> to vector<128x128xf32>
    %mul3A_133 = arith.mulf %mul3A_131, %mul3A_132 : vector<128x128xf32>
    %slice3A_134 = vector.extract_strided_slice %transpose3A {offsets = [0, 30], sizes = [128, 1], strides = [1, 1]} : vector<128x50xf32> to vector<128x1xf32>
    %mul3A_135 = vector.broadcast %slice3A_134 : vector<128x1xf32> to vector<128x128xf32>
    %mul3A_136 = vector.broadcast %sub3A : vector<1x128xf32> to vector<128x128xf32>
    %mul3A_137 = arith.mulf %mul3A_135, %mul3A_136 : vector<128x128xf32>
    %slice3A_138 = vector.extract_strided_slice %transpose3A {offsets = [0, 31], sizes = [128, 1], strides = [1, 1]} : vector<128x50xf32> to vector<128x1xf32>
    %mul3A_139 = vector.broadcast %slice3A_138 : vector<128x1xf32> to vector<128x128xf32>
    %mul3A_140 = vector.broadcast %sub3A : vector<1x128xf32> to vector<128x128xf32>
    %mul3A_141 = arith.mulf %mul3A_139, %mul3A_140 : vector<128x128xf32>
    %slice3A_142 = vector.extract_strided_slice %transpose3A {offsets = [0, 32], sizes = [128, 1], strides = [1, 1]} : vector<128x50xf32> to vector<128x1xf32>
    %mul3A_143 = vector.broadcast %slice3A_142 : vector<128x1xf32> to vector<128x128xf32>
    %mul3A_144 = vector.broadcast %sub3A : vector<1x128xf32> to vector<128x128xf32>
    %mul3A_145 = arith.mulf %mul3A_143, %mul3A_144 : vector<128x128xf32>
    %slice3A_146 = vector.extract_strided_slice %transpose3A {offsets = [0, 33], sizes = [128, 1], strides = [1, 1]} : vector<128x50xf32> to vector<128x1xf32>
    %mul3A_147 = vector.broadcast %slice3A_146 : vector<128x1xf32> to vector<128x128xf32>
    %mul3A_148 = vector.broadcast %sub3A : vector<1x128xf32> to vector<128x128xf32>
    %mul3A_149 = arith.mulf %mul3A_147, %mul3A_148 : vector<128x128xf32>
    %slice3A_150 = vector.extract_strided_slice %transpose3A {offsets = [0, 34], sizes = [128, 1], strides = [1, 1]} : vector<128x50xf32> to vector<128x1xf32>
    %mul3A_151 = vector.broadcast %slice3A_150 : vector<128x1xf32> to vector<128x128xf32>
    %mul3A_152 = vector.broadcast %sub3A : vector<1x128xf32> to vector<128x128xf32>
    %mul3A_153 = arith.mulf %mul3A_151, %mul3A_152 : vector<128x128xf32>
    %slice3A_154 = vector.extract_strided_slice %transpose3A {offsets = [0, 35], sizes = [128, 1], strides = [1, 1]} : vector<128x50xf32> to vector<128x1xf32>
    %mul3A_155 = vector.broadcast %slice3A_154 : vector<128x1xf32> to vector<128x128xf32>
    %mul3A_156 = vector.broadcast %sub3A : vector<1x128xf32> to vector<128x128xf32>
    %mul3A_157 = arith.mulf %mul3A_155, %mul3A_156 : vector<128x128xf32>
    %slice3A_158 = vector.extract_strided_slice %transpose3A {offsets = [0, 36], sizes = [128, 1], strides = [1, 1]} : vector<128x50xf32> to vector<128x1xf32>
    %mul3A_159 = vector.broadcast %slice3A_158 : vector<128x1xf32> to vector<128x128xf32>
    %mul3A_160 = vector.broadcast %sub3A : vector<1x128xf32> to vector<128x128xf32>
    %mul3A_161 = arith.mulf %mul3A_159, %mul3A_160 : vector<128x128xf32>
    %slice3A_162 = vector.extract_strided_slice %transpose3A {offsets = [0, 37], sizes = [128, 1], strides = [1, 1]} : vector<128x50xf32> to vector<128x1xf32>
    %mul3A_163 = vector.broadcast %slice3A_162 : vector<128x1xf32> to vector<128x128xf32>
    %mul3A_164 = vector.broadcast %sub3A : vector<1x128xf32> to vector<128x128xf32>
    %mul3A_165 = arith.mulf %mul3A_163, %mul3A_164 : vector<128x128xf32>
    %slice3A_166 = vector.extract_strided_slice %transpose3A {offsets = [0, 38], sizes = [128, 1], strides = [1, 1]} : vector<128x50xf32> to vector<128x1xf32>
    %mul3A_167 = vector.broadcast %slice3A_166 : vector<128x1xf32> to vector<128x128xf32>
    %mul3A_168 = vector.broadcast %sub3A : vector<1x128xf32> to vector<128x128xf32>
    %mul3A_169 = arith.mulf %mul3A_167, %mul3A_168 : vector<128x128xf32>
    %slice3A_170 = vector.extract_strided_slice %transpose3A {offsets = [0, 39], sizes = [128, 1], strides = [1, 1]} : vector<128x50xf32> to vector<128x1xf32>
    %mul3A_171 = vector.broadcast %slice3A_170 : vector<128x1xf32> to vector<128x128xf32>
    %mul3A_172 = vector.broadcast %sub3A : vector<1x128xf32> to vector<128x128xf32>
    %mul3A_173 = arith.mulf %mul3A_171, %mul3A_172 : vector<128x128xf32>
    %slice3A_174 = vector.extract_strided_slice %transpose3A {offsets = [0, 40], sizes = [128, 1], strides = [1, 1]} : vector<128x50xf32> to vector<128x1xf32>
    %mul3A_175 = vector.broadcast %slice3A_174 : vector<128x1xf32> to vector<128x128xf32>
    %mul3A_176 = vector.broadcast %sub3A : vector<1x128xf32> to vector<128x128xf32>
    %mul3A_177 = arith.mulf %mul3A_175, %mul3A_176 : vector<128x128xf32>
    %slice3A_178 = vector.extract_strided_slice %transpose3A {offsets = [0, 41], sizes = [128, 1], strides = [1, 1]} : vector<128x50xf32> to vector<128x1xf32>
    %mul3A_179 = vector.broadcast %slice3A_178 : vector<128x1xf32> to vector<128x128xf32>
    %mul3A_180 = vector.broadcast %sub3A : vector<1x128xf32> to vector<128x128xf32>
    %mul3A_181 = arith.mulf %mul3A_179, %mul3A_180 : vector<128x128xf32>
    %slice3A_182 = vector.extract_strided_slice %transpose3A {offsets = [0, 42], sizes = [128, 1], strides = [1, 1]} : vector<128x50xf32> to vector<128x1xf32>
    %mul3A_183 = vector.broadcast %slice3A_182 : vector<128x1xf32> to vector<128x128xf32>
    %mul3A_184 = vector.broadcast %sub3A : vector<1x128xf32> to vector<128x128xf32>
    %mul3A_185 = arith.mulf %mul3A_183, %mul3A_184 : vector<128x128xf32>
    %slice3A_186 = vector.extract_strided_slice %transpose3A {offsets = [0, 43], sizes = [128, 1], strides = [1, 1]} : vector<128x50xf32> to vector<128x1xf32>
    %mul3A_187 = vector.broadcast %slice3A_186 : vector<128x1xf32> to vector<128x128xf32>
    %mul3A_188 = vector.broadcast %sub3A : vector<1x128xf32> to vector<128x128xf32>
    %mul3A_189 = arith.mulf %mul3A_187, %mul3A_188 : vector<128x128xf32>
    %slice3A_190 = vector.extract_strided_slice %transpose3A {offsets = [0, 44], sizes = [128, 1], strides = [1, 1]} : vector<128x50xf32> to vector<128x1xf32>
    %mul3A_191 = vector.broadcast %slice3A_190 : vector<128x1xf32> to vector<128x128xf32>
    %mul3A_192 = vector.broadcast %sub3A : vector<1x128xf32> to vector<128x128xf32>
    %mul3A_193 = arith.mulf %mul3A_191, %mul3A_192 : vector<128x128xf32>
    %slice3A_194 = vector.extract_strided_slice %transpose3A {offsets = [0, 45], sizes = [128, 1], strides = [1, 1]} : vector<128x50xf32> to vector<128x1xf32>
    %mul3A_195 = vector.broadcast %slice3A_194 : vector<128x1xf32> to vector<128x128xf32>
    %mul3A_196 = vector.broadcast %sub3A : vector<1x128xf32> to vector<128x128xf32>
    %mul3A_197 = arith.mulf %mul3A_195, %mul3A_196 : vector<128x128xf32>
    %slice3A_198 = vector.extract_strided_slice %transpose3A {offsets = [0, 46], sizes = [128, 1], strides = [1, 1]} : vector<128x50xf32> to vector<128x1xf32>
    %mul3A_199 = vector.broadcast %slice3A_198 : vector<128x1xf32> to vector<128x128xf32>
    %mul3A_200 = vector.broadcast %sub3A : vector<1x128xf32> to vector<128x128xf32>
    %mul3A_201 = arith.mulf %mul3A_199, %mul3A_200 : vector<128x128xf32>
    %slice3A_202 = vector.extract_strided_slice %transpose3A {offsets = [0, 47], sizes = [128, 1], strides = [1, 1]} : vector<128x50xf32> to vector<128x1xf32>
    %mul3A_203 = vector.broadcast %slice3A_202 : vector<128x1xf32> to vector<128x128xf32>
    %mul3A_204 = vector.broadcast %sub3A : vector<1x128xf32> to vector<128x128xf32>
    %mul3A_205 = arith.mulf %mul3A_203, %mul3A_204 : vector<128x128xf32>
    %slice3A_206 = vector.extract_strided_slice %transpose3A {offsets = [0, 48], sizes = [128, 1], strides = [1, 1]} : vector<128x50xf32> to vector<128x1xf32>
    %mul3A_207 = vector.broadcast %slice3A_206 : vector<128x1xf32> to vector<128x128xf32>
    %mul3A_208 = vector.broadcast %sub3A : vector<1x128xf32> to vector<128x128xf32>
    %mul3A_209 = arith.mulf %mul3A_207, %mul3A_208 : vector<128x128xf32>
    %slice3A_210 = vector.extract_strided_slice %transpose3A {offsets = [0, 49], sizes = [128, 1], strides = [1, 1]} : vector<128x50xf32> to vector<128x1xf32>
    %mul3A_211 = vector.broadcast %slice3A_210 : vector<128x1xf32> to vector<128x128xf32>
    %mul3A_212 = vector.broadcast %sub3A : vector<1x128xf32> to vector<128x128xf32>
    %mul3A_213 = arith.mulf %mul3A_211, %mul3A_212 : vector<128x128xf32>
    %concatenate3A = tpu.concatenate %mul3A_17, %mul3A_21, %mul3A_25, %mul3A_29, %mul3A_33, %mul3A_37, %mul3A_41, %mul3A_45, %mul3A_49, %mul3A_53, %mul3A_57, %mul3A_61, %mul3A_65, %mul3A_69, %mul3A_73, %mul3A_77, %mul3A_81, %mul3A_85, %mul3A_89, %mul3A_93, %mul3A_97, %mul3A_101, %mul3A_105, %mul3A_109, %mul3A_113, %mul3A_117, %mul3A_121, %mul3A_125, %mul3A_129, %mul3A_133, %mul3A_137, %mul3A_141, %mul3A_145, %mul3A_149, %mul3A_153, %mul3A_157, %mul3A_161, %mul3A_165, %mul3A_169, %mul3A_173, %mul3A_177, %mul3A_181, %mul3A_185, %mul3A_189, %mul3A_193, %mul3A_197, %mul3A_201, %mul3A_205, %mul3A_209, %mul3A_213 in 0 : vector<128x128xf32>, vector<128x128xf32>, vector<128x128xf32>, vector<128x128xf32>, vector<128x128xf32>, vector<128x128xf32>, vector<128x128xf32>, vector<128x128xf32>, vector<128x128xf32>, vector<128x128xf32>, vector<128x128xf32>, vector<128x128xf32>, vector<128x128xf32>, vector<128x128xf32>, vector<128x128xf32>, vector<128x128xf32>, vector<128x128xf32>, vector<128x128xf32>, vector<128x128xf32>, vector<128x128xf32>, vector<128x128xf32>, vector<128x128xf32>, vector<128x128xf32>, vector<128x128xf32>, vector<128x128xf32>, vector<128x128xf32>, vector<128x128xf32>, vector<128x128xf32>, vector<128x128xf32>, vector<128x128xf32>, vector<128x128xf32>, vector<128x128xf32>, vector<128x128xf32>, vector<128x128xf32>, vector<128x128xf32>, vector<128x128xf32>, vector<128x128xf32>, vector<128x128xf32>, vector<128x128xf32>, vector<128x128xf32>, vector<128x128xf32>, vector<128x128xf32>, vector<128x128xf32>, vector<128x128xf32>, vector<128x128xf32>, vector<128x128xf32>, vector<128x128xf32>, vector<128x128xf32>, vector<128x128xf32>, vector<128x128xf32> -> vector<6400x128xf32>
    %add3A_214 = vector.broadcast %get3A_7 : vector<1x128xf32> to vector<6400x128xf32>
    %add3A_215 = arith.addf %add3A, %add3A_214 : vector<6400x128xf32>
    %add3A_216 = arith.addf %add3A_215, %concatenate3A : vector<6400x128xf32>
    %reduce_sum3A = arith.constant dense<0.000000e+00> : vector<6400xf32>
    %reduce_sum3A_217 = vector.multi_reduction <add>, %add3A_216, %reduce_sum3A [1] : vector<6400x128xf32> to vector<6400xf32>
    %broadcast_in_dim3A = vector.shape_cast %reduce_sum3A_217 : vector<6400xf32> to vector<6400x1xf32>
    %mul3A_218 = arith.constant 7.812500e-03 : f32
    %mul3A_219 = vector.broadcast %mul3A_218 : f32 to vector<6400x1xf32>
    %mul3A_220 = arith.mulf %broadcast_in_dim3A, %mul3A_219 : vector<6400x1xf32>
    %mul3A_221 = arith.mulf %add3A_216, %add3A_216 : vector<6400x128xf32>
    %reduce_sum3A_222 = arith.constant dense<0.000000e+00> : vector<6400xf32>
    %reduce_sum3A_223 = vector.multi_reduction <add>, %mul3A_221, %reduce_sum3A_222 [1] : vector<6400x128xf32> to vector<6400xf32>
    %broadcast_in_dim3A_224 = vector.shape_cast %reduce_sum3A_223 : vector<6400xf32> to vector<6400x1xf32>
    %mul3A_225 = arith.constant 7.812500e-03 : f32
    %mul3A_226 = vector.broadcast %mul3A_225 : f32 to vector<6400x1xf32>
    %mul3A_227 = arith.mulf %broadcast_in_dim3A_224, %mul3A_226 : vector<6400x1xf32>
    %mul3A_228 = arith.mulf %mul3A_220, %mul3A_220 : vector<6400x1xf32>
    %sub3A_229 = arith.subf %mul3A_227, %mul3A_228 : vector<6400x1xf32>
    %add3A_230 = arith.constant 9.99999996E-13 : f32
    %add3A_231 = vector.broadcast %add3A_230 : f32 to vector<6400x1xf32>
    %add3A_232 = arith.addf %sub3A_229, %add3A_231 : vector<6400x1xf32>
    %rsqrt3A = math.rsqrt %add3A_232 : vector<6400x1xf32>
    %get3A_233 = arith.constant 0 : index
    %get3A_234 = arith.constant 0 : index
    %get3A_235 = vector.load %arg5[%get3A_233, %get3A_234] : memref<1x128xf32, #tpu.memory_space<vmem>>, vector<1x128xf32>
    %mul3A_236 = vector.broadcast %rsqrt3A : vector<6400x1xf32> to vector<6400x128xf32>
    %mul3A_237 = vector.broadcast %get3A_235 : vector<1x128xf32> to vector<6400x128xf32>
    %mul3A_238 = arith.mulf %mul3A_236, %mul3A_237 : vector<6400x128xf32>
    %sub3A_239 = vector.broadcast %mul3A_220 : vector<6400x1xf32> to vector<6400x128xf32>
    %sub3A_240 = arith.subf %add3A_216, %sub3A_239 : vector<6400x128xf32>
    %mul3A_241 = arith.mulf %sub3A_240, %mul3A_238 : vector<6400x128xf32>
    %get3A_242 = arith.constant 0 : index
    %get3A_243 = arith.constant 0 : index
    %get3A_244 = vector.load %arg6[%get3A_242, %get3A_243] : memref<1x128xf32, #tpu.memory_space<vmem>>, vector<1x128xf32>
    %add3A_245 = vector.broadcast %get3A_244 : vector<1x128xf32> to vector<6400x128xf32>
    %add3A_246 = arith.addf %mul3A_241, %add3A_245 : vector<6400x128xf32>
    %swap3A = arith.constant 0 : index
    %swap3A_247 = arith.constant 0 : index
    %swap3A_248 = vector.load %arg8[%swap3A, %swap3A_247] : memref<6400x128xf32, #tpu.memory_space<vmem>>, vector<6400x128xf32>
    tpu.vector_store %arg8[%swap3A, %swap3A_247], %add3A_246 {strides = array<i32>} : memref<6400x128xf32, #tpu.memory_space<vmem>>, vector<6400x128xf32>,
    return
  }
  func.func @transform_0(%arg0: i32) -> (i32, i32) {
    %c0_i32 = arith.constant 0 : i32
    %c0_i32_0 = arith.constant 0 : i32
    return %arg0, %c0_i32 : i32, i32
  }
  func.func @transform_1(%arg0: i32) -> (i32, i32, i32) {
    %add3A = arith.constant 16 : i32
    %add3A_0 = arith.addi %add3A, %arg0 : i32
    %c0_i32 = arith.constant 0 : i32
    %c0_i32_1 = arith.constant 0 : i32
    %c0_i32_2 = arith.constant 0 : i32
    return %add3A_0, %c0_i32, %c0_i32_1 : i32, i32, i32
  }
  func.func @transform_2(%arg0: i32) -> (i32, i32) {
    %c0_i32 = arith.constant 0 : i32
    %c0_i32_0 = arith.constant 0 : i32
    %c0_i32_1 = arith.constant 0 : i32
    return %c0_i32, %c0_i32_0 : i32, i32
  }
  func.func @transform_3(%arg0: i32) -> (i32, i32) {
    %c0_i32 = arith.constant 0 : i32
    %c0_i32_0 = arith.constant 0 : i32
    %c0_i32_1 = arith.constant 0 : i32
    return %c0_i32, %c0_i32_0 : i32, i32
  }
  func.func @transform_4(%arg0: i32) -> (i32, i32) {
    %c0_i32 = arith.constant 0 : i32
    %c0_i32_0 = arith.constant 0 : i32
    %c0_i32_1 = arith.constant 0 : i32
    return %c0_i32, %c0_i32_0 : i32, i32
  }
  func.func @transform_5(%arg0: i32) -> (i32, i32) {
    %c0_i32 = arith.constant 0 : i32
    %c0_i32_0 = arith.constant 0 : i32
    %c0_i32_1 = arith.constant 0 : i32
    return %c0_i32, %c0_i32_0 : i32, i32
  }
  func.func @transform_7(%arg0: i32) -> (i32, i32) {
    %add3A = arith.constant 16 : i32
    %add3A_0 = arith.addi %add3A, %arg0 : i32
    %c0_i32 = arith.constant 0 : i32
    %c0_i32_1 = arith.constant 0 : i32
    return %add3A_0, %c0_i32 : i32, i32
  }
}

</mosaic_0001>

<sc_bundles>
// kernel: kernel.6.cloned.1.call-start
scs
__scs_entry_jumppad:
0x0: {  	(pc) =	sbr.rel $0x88, $3  }
0x1: {  	(tag) =	ssettag $0x0;
	lr =	simm.s32 $0x1  }
0x2: {  	[smem:$0x3F9A] =	sst lr;
	_ =	strace $0xD0000000  }
0x3: {  	_ = 	snop  }
0x4: {  	_ = 	snop  }
0x5: {  	_ = 	snop  }
0x6: {  	_ = 	snop  }
0x7: {  	_ = 	snop  }
__scs_overlays_trampoline_lowered:
0x8: {  	[smem:$0x3FA9] =	sst s0  }
0x9: {  	[smem:$0x3FAA] =	sst s1  }
0xa: {  	[smem:$0x3FAB] =	sst s2  }
0xb: {  	[smem:$0x3FAC] =	sst s3  }
0xc: {  	[smem:$0x3FAD] =	sst s4  }
0xd: {  	[smem:$0x3FAE] =	sst s5  }
0xe: {  	[smem:$0x3FAF] =	sst s6  }
0xf: {  	[smem:$0x3FB0] =	sst s7  }
0x10: {  	[smem:$0x3FB1] =	sst s8  }
0x11: {  	[smem:$0x3FB2] =	sst s9;
	s0 =	simm.s32 @!p0 $0x0  }
0x12: {  	s1 =	sld [smem:$0x3F98];
	s0 =	simm.s32 @p0 $0x1  }
0x13: {  	[smem:$0x3FB3] =	sst s0;
	s0 =	simm.s32 @!p1 $0x0  }
0x14: {  	s2 =	sld [smem:$0x3F97];
	s0 =	simm.s32 @p1 $0x1  }
0x15: {  	[smem:$0x3FB4] =	sst s0;
	s0 =	simm.s32 @!p2 $0x0  }
0x16: {  	s3 =	sld [smem:$0x3FDB];
	s0 =	simm.s32 @p2 $0x1  }
0x17: {  	s4 =	simm.s32 $0x1BF5;
	[smem:$0x3FB6] =	sst s0  }
0x18: {  	s0 =	sld [smem:$0x3F99];
	_ =	swait.ge [sflag:s4], $0x0  }
0x19: {  	s7 =	sld [smem:$0x3F9A]  }
0x1a: {  	s8 =	sadd.s32 $0xFFFFE003, lr  }
0x1b: {  	s9 =	sadd.s32 $0xFFFFFEF7, lr;
	s5 =	simm.s32 $0xFFFFFFFF;
	p2 =	slt.u32 s8, $0xFFFFF086  }
0x1c: {  	p1 =	slt.u32 s9, $0xF7A;
	s5 =	simm.s32 @!p2 $0x0  }
0x1d: {  	s5 =	simm.s32 @p1 $0x1;
	p0 =	seq.s32 s7, s2  }
0x1e: {  	s7 =	smul.u32 @!p0 $0xF7A, s2;
	p2 =	seq.s32 @!p0 s5, $0x0  }
0x1f: {  	s9 =	smul.u32 $0xF7A, s1;
	s8 =	simm.s32 @!p0 $0x1BF5;
	p2 =	por !p2, p0  }
0x20: {  	[sflag:s8] =	ssyncset.s32 @!p0 $0xFFFFF086;
	s6 =	sadd.s32 @!p0 s3, s7;
	s7 =	simm.s32 @!p0 $0x108  }
0x21: {  	s3 =	sadd.s32 s3, s9;
	s6 =	sadd.s32 @!p0 $0x88, s6;
	s7 =	simm.s32 @p2 $0x1082  }
0x22: {  	[simem:s7], [sflag:s8] =	dma.local @!p0 [hbm:s6], $0xF7A  }
0x23: {  	s9 =	sor.u32 $0xD0000000, s2;
	s6 =	simm.s32 $0x108;
	_ =	swait.ge @!p0 [sflag:s8], $0x0  }
0x24: {  	s3 =	sadd.s32 $0x88, s3;
	s6 =	simm.s32 @!p1 $0x1082;
	[sflag:s4] =	ssyncset.s32 $0xFFFFF086  }
0x25: {  	[simem:s6], [sflag:s4] =	dma.local [hbm:s3], $0xF7A  }
0x26: {  	[smem:$0x3F9A] =	sst s1;
	(tag) =	ssettag s2;
	_ =	strace s9  }
0x27: {  	s1 =	sld [smem:$0x3FAA]  }
0x28: {  	s2 =	sld [smem:$0x3FAB]  }
0x29: {  	s4 =	sld [smem:$0x3FAD]  }
0x2a: {  	p0 =	seq.s32 s5, $0x0;
	s5 =	sld [smem:$0x3FAE]  }
0x2b: {  	s6 =	sld [smem:$0x3FAF]  }
0x2c: {  	s7 =	sld [smem:$0x3FB0]  }
0x2d: {  	s3 =	simm.s32 $0x108;
	s8 =	sld [smem:$0x3FB1]  }
0x2e: {  	s3 =	simm.s32 @!p0 $0x1082;
	s9 =	sld [smem:$0x3FB2]  }
0x2f: {  	lr =	sadd.s32 s0, s3;
	s0 =	sld [smem:$0x3FA9]  }
0x30: {  	s3 =	sld [smem:$0x3FAC]  }
0x31: {  	[smem:$0x3FB5] =	sst s10  }
0x32: {  	s10 =	sld [smem:$0x3FB3];
	_ =	sdelay $0x3  }
0x33: {  	p0 =	seq.s32 s10, $0x1;
	s10 =	sld [smem:$0x3FB5];
	_ =	sdelay $0x3  }
0x34: {  	[smem:$0x3FB5] =	sst s10  }
0x35: {  	s10 =	sld [smem:$0x3FB4];
	_ =	sdelay $0x3  }
0x36: {  	p1 =	seq.s32 s10, $0x1;
	s10 =	sld [smem:$0x3FB5];
	_ =	sdelay $0x3  }
0x37: {  	[smem:$0x3FB5] =	sst s10  }
0x38: {  	s10 =	sld [smem:$0x3FB6]  }
0x39: {  	_ = 	snop;
	(pc) =	sbr.ind lr, $3  }
0x3a: {  	_ = 	snop  }
0x3b: {  	_ = 	snop  }
0x3c: {  	p2 =	seq.s32 s10, $0x1;
	s10 =	sld [smem:$0x3FB5]  }
0x3d: {  	_ =	shalt  }
0x3e: {  	_ =	shalt  }
0x3f: {  	_ =	shalt  }
0x40: {  	_ =	shalt  }
0x41: {  	_ =	shalt  }
0x42: {  	_ =	shalt  }
0x43: {  	_ =	shalt  }
0x44: {  	_ =	shalt  }
0x45: {  	_ =	shalt  }
0x46: {  	_ =	shalt  }
0x47: {  	_ =	shalt  }
0x48: {  	_ =	shalt  }
0x49: {  	_ =	shalt  }
0x4a: {  	_ =	shalt  }
0x4b: {  	_ =	shalt  }
0x4c: {  	_ =	shalt  }
0x4d: {  	_ =	shalt  }
0x4e: {  	_ =	shalt  }
0x4f: {  	_ =	shalt  }
0x50: {  	_ =	shalt  }
0x51: {  	_ =	shalt  }
0x52: {  	_ =	shalt  }
0x53: {  	_ =	shalt  }
0x54: {  	_ =	shalt  }
0x55: {  	_ =	shalt  }
0x56: {  	_ =	shalt  }
0x57: {  	_ =	shalt  }
0x58: {  	_ =	shalt  }
0x59: {  	_ =	shalt  }
0x5a: {  	_ =	shalt  }
0x5b: {  	_ =	shalt  }
0x5c: {  	_ =	shalt  }
0x5d: {  	_ =	shalt  }
0x5e: {  	_ =	shalt  }
0x5f: {  	_ =	shalt  }
0x60: {  	_ =	shalt  }
0x61: {  	_ =	shalt  }
0x62: {  	_ =	shalt  }
0x63: {  	_ =	shalt  }
0x64: {  	_ =	shalt  }
0x65: {  	_ =	shalt  }
0x66: {  	_ =	shalt  }
0x67: {  	_ =	shalt  }
0x68: {  	_ =	shalt  }
0x69: {  	_ =	shalt  }
0x6a: {  	_ =	shalt  }
0x6b: {  	_ =	shalt  }
0x6c: {  	_ =	shalt  }
0x6d: {  	_ =	shalt  }
0x6e: {  	_ =	shalt  }
0x6f: {  	_ =	shalt  }
0x70: {  	_ =	shalt  }
0x71: {  	_ =	shalt  }
0x72: {  	_ =	shalt  }
0x73: {  	_ =	shalt  }
0x74: {  	_ =	shalt  }
0x75: {  	_ =	shalt  }
0x76: {  	_ =	shalt  }
0x77: {  	_ =	shalt  }
0x78: {  	_ =	shalt  }
0x79: {  	_ =	shalt  }
0x7a: {  	_ =	shalt  }
0x7b: {  	_ =	shalt  }
0x7c: {  	_ =	shalt  }
0x7d: {  	_ =	shalt  }
0x7e: {  	_ =	shalt  }
0x7f: {  	_ =	shalt  }
0x80: {  	_ =	shalt  }
0x81: {  	_ =	shalt  }
0x82: {  	_ =	shalt  }
0x83: {  	_ =	shalt  }
0x84: {  	_ =	shalt  }
0x85: {  	_ =	shalt  }
0x86: {  	_ =	shalt  }
0x87: {  	_ =	shalt  }
.Lfunc_end0:
.L_simem_size_0:
called_computation_lowered:
.L_overlay_start_0:
0x88: {  	s2 =	sld [smem:$0x3FD9]  }
0x89: {  	s3 =	sld [smem:$0x3FFE];
	_ =	sdelay $0x1  }
0x8a: {  	s1 =	srdreg.scid  }
0x8b: {  	s0 =	sand.u32 $0x1, s1  }
0x8c: {  	s17 =	sshll.u32 s0, $0xA;
	s2 =	sadd.s32 s3, s2  }
0x8d: {  	s2 =	sadd.s32 s2, s17  }
0x8e: {  	[smem:$0x3FC1] =	sst s2  }
0x8f: {  	_ = 	snop  }
0x90: {  	s2 =	sld [smem:$0x3FC7]  }
0x91: {  	s18 =	sld [smem:$0x3FD0];
	(tm) =	ssettm $0x1  }
0x92: {  	s4 =	sld [smem:$0x3FFB];
	_ =	sdelay $0x3  }
0x93: {  	_ =	strace s4  }
0x94: {  	s4 =	sld [smem:$0x3FFC];
	_ =	sdelay $0x3  }
0x95: {  	_ =	strace s4  }
0x96: {  	s4 =	sld [smem:$0x3FFD];
	_ =	sdelay $0x3  }
0x97: {  	_ =	strace s4  }
0x98: {  	_ =	strace $0x8FFFFFFF  }
0x99: {  	s19 =	sld [smem:$0x3FDB];
	_ =	sdelay $0x1  }
0x9a: {  	s5 =	simm.s32 $_scs_section_size  }
0x9b: {  	s6 =	simm.s32 $_size__tile_overlayer_lowered;
	s7 =	simm.s32 $_tile_overlayer_lowered  }
0x9c: {  	s22 =	simm.s32 $0x1BFF;
	s21 =	sshll.u32 s7, $0x1;
	s4 =	sadd.s32 s5, s19  }
0x9d: {  	s8 =	simm.s32 $0x0;
	s20 =	sshll.u32 s6, $0x1;
	s6 =	sadd.s32 s21, s4  }
0x9e: {  	[timem:s8], [sflag:s22] =	dma.local [hbm:s6], s20  }
0x9f: {  	_ =	swait.ge [sflag:s22], s20  }
0xa0: {  	s5 =	ssub.s32 $0x0, s20;
	[sflag:s22] =	ssyncset.done $0x0  }
0xa1: {  	[sflag:s22] =	ssyncadd.s32 s5;
	_ =	sdelay $0x1  }
0xa2: {  	s23 =	simm.s32 $0x1B8B  }
0xa3: {  	_ =	swait.ge [sflag:s23], $0x1  }
0xa4: {  	[sflag:s23] =	ssyncset.done $0x0  }
0xa5: {  	s25 =	simm.s32 $0x1B8E;
	s24 =	sld [smem:$0x3FFE];
	[sflag:s23] =	ssyncadd.s32 $0xFFFFFFFF  }
0xa6: {  	s26 =	simm.s32 $execute0_lowered;
	[smem:$0x3FD2] =	sst s25  }
0xa7: {  	s6 =	sshll.u32 s26, $0x1;
	_ =	strace $0x80000046;
	[dreg:$0x1] =	wrdreg $0xFFFFFFFF  }
0xa8: {  	s28 =	simm.s32 $_size_execute0_lowered;
	s4 =	sadd.s32 s4, s6;
	[dreg:$0x0] =	wrdreg $0x0  }
0xa9: {  	s6 =	sshll.u32 s28, $0x1;
	[dreg:$0x2] =	wrdreg s4  }
0xaa: {  	[dreg:$0x3] =	wrdreg s6  }
0xab: {  	[dreg:$0x4] =	wrdreg $0xC0  }
0xac: {  	_ =	task [dreg:s8], $0x5FFFF  }
0xad: {  	[dreg:$0x1] =	wrdreg $0xFFFFFFFF  }
0xae: {  	[dreg:$0x0] =	wrdreg $0x60  }
0xaf: {  	[dreg:$0x2] =	wrdreg s2  }
0xb0: {  	[dreg:$0x3] =	wrdreg s18  }
0xb1: {  	[dreg:$0x4] =	wrdreg s24  }
0xb2: {  	[dreg:$0x5] =	wrdreg $0x9  }
0xb3: {  	_ =	task.clear_ibuf [dreg:s8], $0x6FFFF;
	_ =	strace $0x90000046  }
0xb4: {  	s29 =	simm.s32 $0x9;
	_ =	strace $0x80000048  }
0xb5: {  	_ =	swait.ge [sflag:s29], $0x1  }
0xb6: {  	[sflag:s29] =	ssyncadd.s32 $0xFFFFFFFF  }
0xb7: {  	_ =	strace $0x90000048  }
0xb8: {  	_ =	sfence  }
0xb9: {  	s30 =	sld [smem:$0x0];
	_ =	sdelay $0x2  }
0xba: {  	s31 =	sshll.u32 s1, $0xD;
	s1 =	sshrl.u32 s1, $0x2  }
0xbb: {  	s3 =	sand.u32 $0x4000, s31;
	s1 =	sadd.s32 s1, s30  }
0xbc: {  	s0 =	sor.u32 s3, s0;
	s1 =	sshll.u32 s1, $0x11  }
0xbd: {  	s0 =	sor.u32 s1, s0  }
0xbe: {  	s0 =	sadd.s32 $0x8F2B, s0  }
0xbf: {  	[sflag:s0] =	ssyncadd.remote.s32 $0x1  }
0xc0: {  	_ =	sfence.sel $0xFFFF  }
0xc1: {  	[dreg:$0x0] =	wrdreg $0xFFFFFFFF;
	(pc) =	sbr.abs _section_cstart, $3  }
0xc2: {  	[dreg:$0x1] =	wrdreg $0xFFFFFFFF  }
0xc3: {  	_ =	task.clear_ibuf [dreg:s8], $0x2FFFF;
	_ =	strace $0x9FFFFFFF  }
0xc4: {  	(tm) =	ssettm $0x7FFFFFFF  }
0xc5: {  	_ =	shalt  }
tec
execute0_lowered:
.L_overlay_start_1:
0x0: {  	(tag) =	ssettag $0x1  }
0x1: {  	s1 =	rddreg [dreg:$0x0]  }
0x2: {  	s5 =	rddreg [dreg:$0x1]  }
0x3: {  	s4 =	rddreg [dreg:$0x2]  }
0x4: {  	s2 =	srdreg.scid;
	s0 =	rddreg [dreg:$0x3];
	s3 =	simm.s32 $0x0  }
0x5: {  	s10 =	simm.s32 $0x4400;
	s11 =	simm.s32 $0x100;
	s12 =	simm.s32 $0x8400  }
0x6: {  	s13 =	simm.s32 $0x180;
	s14 =	simm.s32 $0xC400;
	s15 =	simm.s32 $0x200  }
0x7: {  	s16 =	simm.s32 $0x10400;
	s17 =	simm.s32 $0x1;
	s18 =	simm.s32 $0x2  }
0x8: {  	s19 =	simm.s32 $0x0;
	s6 =	sand.u32 $0x1, s2;
	s2 =	stileid.u32  }
0x9: {  	[smem:$0x7FF] =	sst s3;
	s7 =	ssub.s32 $0x2, s6;
	s8 =	smul.u32 $0x5000, s2  }
0xa: {  	_ =	strace $0x80000047;
	s29 =	smul.u32 $0x2800, s6;
	s30 =	sshll.u32 s2, $0x8  }
0xb: {  	s6 =	sshll.u32 s6, $0x7;
	s9 =	sshrl.u32 s7, $0x1;
	s5 =	sadd.s32 s30, s5  }
0xc: {  	s7 =	ssub.s32 s7, s9;
	s8 =	sadd.s32 s8, s4;
	s5 =	sadd.s32 s6, s5  }
0xd: {  	s9 =	simm.s32 $0x400;
	s4 =	smax.u32 s7, $0x1;
	s31 =	sadd.s32 s29, s8  }
0xe: {  	s7 =	simm.s32 $0x3;
	s8 =	simm.s32 $0x80;
	s6 =	sadd.s32 $0x1600, s31  }
.LBB2_1:
0xf: {  	s20 =	sadd.s32 $0x0, s5  }
0x10: {  	[tilespmem:s3], [sflag:$0x3] =	stream.linear.gather [hbm4b:s20+s3], $0x280, $0x38;
	[tilespmem:$0x14400] =	vst v63  }
0x11: {  	_ =	swait.ge [sflag:s7], $0x280  }
0x12: {  	[sflag:s7] =	ssyncset.done $0x0  }
0x13: {  	[sflag:s7] =	ssyncadd.s32 $0xFFFFFD80  }
0x14: {  	[tilespmem:s9], [sflag:$0x1] =	stream.indirect.gather [hbm4b:s1+s8], $0x80, s3, s8, $0xb8;
	[tilespmem:$0x14400] =	vst v63  }
0x15: {  	_ = 	snop  }
0x16: {  	[tilespmem:s10], [sflag:$0x1] =	stream.indirect.gather [hbm4b:s1+s8], $0x80, s8, s8, $0xb8;
	[tilespmem:$0x14400] =	vst v63  }
0x17: {  	_ = 	snop  }
0x18: {  	[tilespmem:s12], [sflag:$0x1] =	stream.indirect.gather [hbm4b:s1+s8], $0x80, s11, s8, $0xb8;
	[tilespmem:$0x14400] =	vst v63  }
0x19: {  	_ = 	snop  }
0x1a: {  	[tilespmem:s14], [sflag:$0x1] =	stream.indirect.gather [hbm4b:s1+s8], $0x80, s13, s8, $0xb8;
	[tilespmem:$0x14400] =	vst v63  }
0x1b: {  	_ = 	snop  }
0x1c: {  	[tilespmem:s16], [sflag:$0x1] =	stream.indirect.gather [hbm4b:s1+s8], $0x80, s15, s8, $0xb8;
	[tilespmem:$0x14400] =	vst v63  }
0x1d: {  	_ =	swait.ge [sflag:s17], $0x4000  }
0x1e: {  	[sflag:s17] =	ssyncset.done $0x0  }
0x1f: {  	[sflag:s17] =	ssyncadd.s32 $0xFFFFC000  }
0x20: {  	_ =	swait.ge [sflag:s17], $0x4000  }
0x21: {  	[sflag:s17] =	ssyncset.done $0x0  }
0x22: {  	[sflag:s17] =	ssyncadd.s32 $0xFFFFC000  }
0x23: {  	_ =	swait.ge [sflag:s17], $0x4000  }
0x24: {  	[sflag:s17] =	ssyncset.done $0x0  }
0x25: {  	[sflag:s17] =	ssyncadd.s32 $0xFFFFC000  }
0x26: {  	_ =	swait.ge [sflag:s17], $0x4000  }
0x27: {  	[sflag:s17] =	ssyncset.done $0x0  }
0x28: {  	[sflag:s17] =	ssyncadd.s32 $0xFFFFC000  }
0x29: {  	_ =	swait.ge [sflag:s17], $0x4000  }
0x2a: {  	[sflag:s17] =	ssyncset.done $0x0  }
0x2b: {  	[sflag:s17] =	ssyncadd.s32 $0xFFFFC000  }
0x2c: {  	[hbm4b:s6+s3] =	stream.linear.scatter [tilespmem:s9], [sflag:$0x2], $0x14000, $0x38;
	[tilespmem:$0x14400] =	vst v63  }
0x2d: {  	s21 =	simm.s32 $0x1000;
	_ =	swait.ge [sflag:s18], $0x14000  }
0x2e: {  	s22 =	simm.s32 $0x2000;
	s20 =	sadd.s32 $0x50000, s6;
	[sflag:s18] =	ssyncset.done $0x0  }
.LBB2_2:
0x2f: {  	s23 =	sadd.s32 s21, s5  }
0x30: {  	[sflag:s18] =	ssyncadd.s32 $0xFFFEC000;
	s21 =	smov.u32 s22;
	s24 =	sadd.s32 $0x1000, s22  }
0x31: {  	[tilespmem:s3], [sflag:$0x3] =	stream.linear.gather [hbm4b:s23+s3], $0x280, $0x38;
	[tilespmem:$0x14400] =	vst v63  }
0x32: {  	p0 =	sne.s32 s22, $0x4000;
	_ =	swait.ge [sflag:s7], $0x280  }
0x33: {  	[sflag:s7] =	ssyncset.done $0x0  }
0x34: {  	[sflag:s7] =	ssyncadd.s32 $0xFFFFFD80  }
0x35: {  	[tilespmem:s9], [sflag:$0x1] =	stream.indirect.gather [hbm4b:s1+s8], $0x80, s3, s8, $0xb8;
	[tilespmem:$0x14400] =	vst v63  }
0x36: {  	_ = 	snop  }
0x37: {  	[tilespmem:s10], [sflag:$0x1] =	stream.indirect.gather [hbm4b:s1+s8], $0x80, s8, s8, $0xb8;
	[tilespmem:$0x14400] =	vst v63  }
0x38: {  	_ = 	snop  }
0x39: {  	[tilespmem:s12], [sflag:$0x1] =	stream.indirect.gather [hbm4b:s1+s8], $0x80, s11, s8, $0xb8;
	[tilespmem:$0x14400] =	vst v63  }
0x3a: {  	_ = 	snop  }
0x3b: {  	[tilespmem:s14], [sflag:$0x1] =	stream.indirect.gather [hbm4b:s1+s8], $0x80, s13, s8, $0xb8;
	[tilespmem:$0x14400] =	vst v63  }
0x3c: {  	_ = 	snop  }
0x3d: {  	[tilespmem:s16], [sflag:$0x1] =	stream.indirect.gather [hbm4b:s1+s8], $0x80, s15, s8, $0xb8;
	[tilespmem:$0x14400] =	vst v63  }
0x3e: {  	_ =	swait.ge [sflag:s17], $0x4000  }
0x3f: {  	[sflag:s17] =	ssyncset.done $0x0  }
0x40: {  	[sflag:s17] =	ssyncadd.s32 $0xFFFFC000  }
0x41: {  	_ =	swait.ge [sflag:s17], $0x4000  }
0x42: {  	[sflag:s17] =	ssyncset.done $0x0  }
0x43: {  	[sflag:s17] =	ssyncadd.s32 $0xFFFFC000  }
0x44: {  	_ =	swait.ge [sflag:s17], $0x4000  }
0x45: {  	[sflag:s17] =	ssyncset.done $0x0  }
0x46: {  	[sflag:s17] =	ssyncadd.s32 $0xFFFFC000  }
0x47: {  	_ =	swait.ge [sflag:s17], $0x4000  }
0x48: {  	[sflag:s17] =	ssyncset.done $0x0  }
0x49: {  	[sflag:s17] =	ssyncadd.s32 $0xFFFFC000  }
0x4a: {  	_ =	swait.ge [sflag:s17], $0x4000  }
.Ltmp0:
0x4b: {  	[sflag:s17] =	ssyncset.done $0x0;
	(pc) =	sbr.rel @p0 .LBB2_2-.Ltmp0, $4  }
0x4c: {  	[sflag:s17] =	ssyncadd.s32 $0xFFFFC000  }
0x4d: {  	[hbm4b:s20+s3] =	stream.linear.scatter [tilespmem:s9], [sflag:$0x2], $0x14000, $0x38;
	[tilespmem:$0x14400] =	vst v63  }
0x4e: {  	_ =	swait.ge [sflag:s18], $0x14000  }
0x4f: {  	s22 =	smov.u32 s24;
	s20 =	sadd.s32 $0x50000, s20;
	[sflag:s18] =	ssyncset.done $0x0  }
0x50: {  	s21 =	sadd.s32 s21, s5;
	[sflag:s18] =	ssyncadd.s32 $0xFFFEC000  }
0x51: {  	[tilespmem:s3], [sflag:$0x3] =	stream.linear.gather [hbm4b:s21+s3], $0x280, $0x38;
	[tilespmem:$0x14400] =	vst v63  }
0x52: {  	_ =	swait.ge [sflag:s7], $0x280  }
0x53: {  	[sflag:s7] =	ssyncset.done $0x0  }
0x54: {  	[sflag:s7] =	ssyncadd.s32 $0xFFFFFD80  }
0x55: {  	[tilespmem:s9], [sflag:$0x1] =	stream.indirect.gather [hbm4b:s1+s8], $0x80, s3, s8, $0xb8;
	[tilespmem:$0x14400] =	vst v63  }
0x56: {  	_ = 	snop  }
0x57: {  	[tilespmem:s10], [sflag:$0x1] =	stream.indirect.gather [hbm4b:s1+s8], $0x80, s8, s8, $0xb8;
	[tilespmem:$0x14400] =	vst v63  }
0x58: {  	_ = 	snop  }
0x59: {  	[tilespmem:s12], [sflag:$0x1] =	stream.indirect.gather [hbm4b:s1+s8], $0x80, s11, s8, $0xb8;
	[tilespmem:$0x14400] =	vst v63  }
0x5a: {  	_ = 	snop  }
0x5b: {  	[tilespmem:s14], [sflag:$0x1] =	stream.indirect.gather [hbm4b:s1+s8], $0x80, s13, s8, $0xb8;
	[tilespmem:$0x14400] =	vst v63  }
0x5c: {  	_ = 	snop  }
0x5d: {  	[tilespmem:s16], [sflag:$0x1] =	stream.indirect.gather [hbm4b:s1+s8], $0x80, s15, s8, $0xb8;
	[tilespmem:$0x14400] =	vst v63  }
0x5e: {  	_ =	swait.ge [sflag:s17], $0x4000  }
0x5f: {  	[sflag:s17] =	ssyncset.done $0x0  }
0x60: {  	[sflag:s17] =	ssyncadd.s32 $0xFFFFC000  }
0x61: {  	_ =	swait.ge [sflag:s17], $0x4000  }
0x62: {  	[sflag:s17] =	ssyncset.done $0x0  }
0x63: {  	[sflag:s17] =	ssyncadd.s32 $0xFFFFC000  }
0x64: {  	_ =	swait.ge [sflag:s17], $0x4000  }
0x65: {  	[sflag:s17] =	ssyncset.done $0x0  }
0x66: {  	[sflag:s17] =	ssyncadd.s32 $0xFFFFC000  }
0x67: {  	_ =	swait.ge [sflag:s17], $0x4000  }
0x68: {  	[sflag:s17] =	ssyncset.done $0x0  }
0x69: {  	[sflag:s17] =	ssyncadd.s32 $0xFFFFC000  }
0x6a: {  	s19 =	sadd.s32 $0x1, s19;
	_ =	swait.ge [sflag:s17], $0x4000  }
0x6b: {  	p0 =	sne.s32 s19, s4;
	[sflag:s17] =	ssyncset.done $0x0  }
.Ltmp1:
0x6c: {  	[sflag:s17] =	ssyncadd.s32 $0xFFFFC000;
	(pc) =	sbr.rel @p0 .LBB2_1-.Ltmp1, $4  }
0x6d: {  	[hbm4b:s20+s3] =	stream.linear.scatter [tilespmem:s9], [sflag:$0x2], $0x14000, $0x38;
	[tilespmem:$0x14400] =	vst v63  }
0x6e: {  	_ =	swait.ge [sflag:s18], $0x14000  }
0x6f: {  	[sflag:s18] =	ssyncset.done $0x0  }
0x70: {  	[sflag:s18] =	ssyncadd.s32 $0xFFFEC000  }
0x71: {  	_ =	sfence.sel $0x180000  }
0x72: {  	[bflag:$0x0] =	sbarrier.arrive $0xFFFF  }
0x73: {  	p0 =	sne.s32 s2, $0x0;
	_ =	strace $0x90000047  }
0x74: {  	s0 =	sadd.s32 @!p0 $0x100000, s0;
	[bflag:$0x2] =	sbarrier.arrive $0xFFFF  }
0x75: {  	[sflag:s0] =	ssyncadd.tile.s32 @!p0 $0x1;
	_ =	shalt  }
.Lfunc_end2:
_tile_overlayer_lowered:
.L_overlay_start_2:
0x76: {  	(tag) =	ssettag $0x2  }
0x77: {  	s0 =	rddreg [dreg:$0x0];
	s2 =	stileid.u32  }
0x78: {  	s1 =	rddreg [dreg:$0x1];
	p0 =	sne.s32 s2, $0x0  }
0x79: {  	s3 =	rddreg [dreg:$0x2];
	[bflag:$0x3] =	sbarrier.arrive $0xFFFF;
	s2 =	simm.s32 @!p0 $0x1C02  }
0x7a: {  	[timem:s3], [sflag:s2] =	dma.local @!p0 [hbm:s0], s1  }
0x7b: {  	s0 =	simm.s32 @!p0 $0x2  }
0x7c: {  	_ =	swait.ge @!p0 [sflag:s0], s1  }
0x7d: {  	s1 =	ssub.s32 @!p0 $0x0, s1;
	[sflag:s0] =	ssyncset.done @!p0 $0x0  }
0x7e: {  	[sflag:s0] =	ssyncadd.s32 @!p0 s1  }
0x7f: {  	[bflag:$0x3] =	sbarrier.arrive $0xFFFF  }
0x80: {  	_ =	shalt  }

// kernel: kernel.9.cloned.1.call-start
scs
__scs_entry_jumppad:
0x0: {  	(pc) =	sbr.rel $0x88, $3  }
0x1: {  	(tag) =	ssettag $0x0;
	lr =	simm.s32 $0x1  }
0x2: {  	[smem:$0x3F9A] =	sst lr;
	_ =	strace $0xD0000000  }
0x3: {  	_ = 	snop  }
0x4: {  	_ = 	snop  }
0x5: {  	_ = 	snop  }
0x6: {  	_ = 	snop  }
0x7: {  	_ = 	snop  }
__scs_overlays_trampoline_lowered:
0x8: {  	[smem:$0x3FA9] =	sst s0  }
0x9: {  	[smem:$0x3FAA] =	sst s1  }
0xa: {  	[smem:$0x3FAB] =	sst s2  }
0xb: {  	[smem:$0x3FAC] =	sst s3  }
0xc: {  	[smem:$0x3FAD] =	sst s4  }
0xd: {  	[smem:$0x3FAE] =	sst s5  }
0xe: {  	[smem:$0x3FAF] =	sst s6  }
0xf: {  	[smem:$0x3FB0] =	sst s7  }
0x10: {  	[smem:$0x3FB1] =	sst s8  }
0x11: {  	[smem:$0x3FB2] =	sst s9;
	s0 =	simm.s32 @!p0 $0x0  }
0x12: {  	s1 =	sld [smem:$0x3F98];
	s0 =	simm.s32 @p0 $0x1  }
0x13: {  	[smem:$0x3FB3] =	sst s0;
	s0 =	simm.s32 @!p1 $0x0  }
0x14: {  	s2 =	sld [smem:$0x3F97];
	s0 =	simm.s32 @p1 $0x1  }
0x15: {  	[smem:$0x3FB4] =	sst s0;
	s0 =	simm.s32 @!p2 $0x0  }
0x16: {  	s3 =	sld [smem:$0x3FDB];
	s0 =	simm.s32 @p2 $0x1  }
0x17: {  	s4 =	simm.s32 $0x1BF5;
	[smem:$0x3FB6] =	sst s0  }
0x18: {  	s0 =	sld [smem:$0x3F99];
	_ =	swait.ge [sflag:s4], $0x0  }
0x19: {  	s7 =	sld [smem:$0x3F9A]  }
0x1a: {  	s8 =	sadd.s32 $0xFFFFE003, lr  }
0x1b: {  	s9 =	sadd.s32 $0xFFFFFEF7, lr;
	s5 =	simm.s32 $0xFFFFFFFF;
	p2 =	slt.u32 s8, $0xFFFFF086  }
0x1c: {  	p1 =	slt.u32 s9, $0xF7A;
	s5 =	simm.s32 @!p2 $0x0  }
0x1d: {  	s5 =	simm.s32 @p1 $0x1;
	p0 =	seq.s32 s7, s2  }
0x1e: {  	s7 =	smul.u32 @!p0 $0xF7A, s2;
	p2 =	seq.s32 @!p0 s5, $0x0  }
0x1f: {  	s9 =	smul.u32 $0xF7A, s1;
	s8 =	simm.s32 @!p0 $0x1BF5;
	p2 =	por !p2, p0  }
0x20: {  	[sflag:s8] =	ssyncset.s32 @!p0 $0xFFFFF086;
	s6 =	sadd.s32 @!p0 s3, s7;
	s7 =	simm.s32 @!p0 $0x108  }
0x21: {  	s3 =	sadd.s32 s3, s9;
	s6 =	sadd.s32 @!p0 $0x88, s6;
	s7 =	simm.s32 @p2 $0x1082  }
0x22: {  	[simem:s7], [sflag:s8] =	dma.local @!p0 [hbm:s6], $0xF7A  }
0x23: {  	s9 =	sor.u32 $0xD0000000, s2;
	s6 =	simm.s32 $0x108;
	_ =	swait.ge @!p0 [sflag:s8], $0x0  }
0x24: {  	s3 =	sadd.s32 $0x88, s3;
	s6 =	simm.s32 @!p1 $0x1082;
	[sflag:s4] =	ssyncset.s32 $0xFFFFF086  }
0x25: {  	[simem:s6], [sflag:s4] =	dma.local [hbm:s3], $0xF7A  }
0x26: {  	[smem:$0x3F9A] =	sst s1;
	(tag) =	ssettag s2;
	_ =	strace s9  }
0x27: {  	s1 =	sld [smem:$0x3FAA]  }
0x28: {  	s2 =	sld [smem:$0x3FAB]  }
0x29: {  	s4 =	sld [smem:$0x3FAD]  }
0x2a: {  	p0 =	seq.s32 s5, $0x0;
	s5 =	sld [smem:$0x3FAE]  }
0x2b: {  	s6 =	sld [smem:$0x3FAF]  }
0x2c: {  	s7 =	sld [smem:$0x3FB0]  }
0x2d: {  	s3 =	simm.s32 $0x108;
	s8 =	sld [smem:$0x3FB1]  }
0x2e: {  	s3 =	simm.s32 @!p0 $0x1082;
	s9 =	sld [smem:$0x3FB2]  }
0x2f: {  	lr =	sadd.s32 s0, s3;
	s0 =	sld [smem:$0x3FA9]  }
0x30: {  	s3 =	sld [smem:$0x3FAC]  }
0x31: {  	[smem:$0x3FB5] =	sst s10  }
0x32: {  	s10 =	sld [smem:$0x3FB3];
	_ =	sdelay $0x3  }
0x33: {  	p0 =	seq.s32 s10, $0x1;
	s10 =	sld [smem:$0x3FB5];
	_ =	sdelay $0x3  }
0x34: {  	[smem:$0x3FB5] =	sst s10  }
0x35: {  	s10 =	sld [smem:$0x3FB4];
	_ =	sdelay $0x3  }
0x36: {  	p1 =	seq.s32 s10, $0x1;
	s10 =	sld [smem:$0x3FB5];
	_ =	sdelay $0x3  }
0x37: {  	[smem:$0x3FB5] =	sst s10  }
0x38: {  	s10 =	sld [smem:$0x3FB6]  }
0x39: {  	_ = 	snop;
	(pc) =	sbr.ind lr, $3  }
0x3a: {  	_ = 	snop  }
0x3b: {  	_ = 	snop  }
0x3c: {  	p2 =	seq.s32 s10, $0x1;
	s10 =	sld [smem:$0x3FB5]  }
0x3d: {  	_ =	shalt  }
0x3e: {  	_ =	shalt  }
0x3f: {  	_ =	shalt  }
0x40: {  	_ =	shalt  }
0x41: {  	_ =	shalt  }
0x42: {  	_ =	shalt  }
0x43: {  	_ =	shalt  }
0x44: {  	_ =	shalt  }
0x45: {  	_ =	shalt  }
0x46: {  	_ =	shalt  }
0x47: {  	_ =	shalt  }
0x48: {  	_ =	shalt  }
0x49: {  	_ =	shalt  }
0x4a: {  	_ =	shalt  }
0x4b: {  	_ =	shalt  }
0x4c: {  	_ =	shalt  }
0x4d: {  	_ =	shalt  }
0x4e: {  	_ =	shalt  }
0x4f: {  	_ =	shalt  }
0x50: {  	_ =	shalt  }
0x51: {  	_ =	shalt  }
0x52: {  	_ =	shalt  }
0x53: {  	_ =	shalt  }
0x54: {  	_ =	shalt  }
0x55: {  	_ =	shalt  }
0x56: {  	_ =	shalt  }
0x57: {  	_ =	shalt  }
0x58: {  	_ =	shalt  }
0x59: {  	_ =	shalt  }
0x5a: {  	_ =	shalt  }
0x5b: {  	_ =	shalt  }
0x5c: {  	_ =	shalt  }
0x5d: {  	_ =	shalt  }
0x5e: {  	_ =	shalt  }
0x5f: {  	_ =	shalt  }
0x60: {  	_ =	shalt  }
0x61: {  	_ =	shalt  }
0x62: {  	_ =	shalt  }
0x63: {  	_ =	shalt  }
0x64: {  	_ =	shalt  }
0x65: {  	_ =	shalt  }
0x66: {  	_ =	shalt  }
0x67: {  	_ =	shalt  }
0x68: {  	_ =	shalt  }
0x69: {  	_ =	shalt  }
0x6a: {  	_ =	shalt  }
0x6b: {  	_ =	shalt  }
0x6c: {  	_ =	shalt  }
0x6d: {  	_ =	shalt  }
0x6e: {  	_ =	shalt  }
0x6f: {  	_ =	shalt  }
0x70: {  	_ =	shalt  }
0x71: {  	_ =	shalt  }
0x72: {  	_ =	shalt  }
0x73: {  	_ =	shalt  }
0x74: {  	_ =	shalt  }
0x75: {  	_ =	shalt  }
0x76: {  	_ =	shalt  }
0x77: {  	_ =	shalt  }
0x78: {  	_ =	shalt  }
0x79: {  	_ =	shalt  }
0x7a: {  	_ =	shalt  }
0x7b: {  	_ =	shalt  }
0x7c: {  	_ =	shalt  }
0x7d: {  	_ =	shalt  }
0x7e: {  	_ =	shalt  }
0x7f: {  	_ =	shalt  }
0x80: {  	_ =	shalt  }
0x81: {  	_ =	shalt  }
0x82: {  	_ =	shalt  }
0x83: {  	_ =	shalt  }
0x84: {  	_ =	shalt  }
0x85: {  	_ =	shalt  }
0x86: {  	_ =	shalt  }
0x87: {  	_ =	shalt  }
.Lfunc_end0:
.L_simem_size_0:
called_computation.1_lowered:
.L_overlay_start_0:
0x88: {  	s2 =	sld [smem:$0x3FD9]  }
0x89: {  	s3 =	sld [smem:$0x3FFE];
	_ =	sdelay $0x1  }
0x8a: {  	s1 =	srdreg.scid  }
0x8b: {  	s0 =	sand.u32 $0x1, s1  }
0x8c: {  	s17 =	sshll.u32 s0, $0xA;
	s2 =	sadd.s32 s3, s2  }
0x8d: {  	s2 =	sadd.s32 s2, s17  }
0x8e: {  	[smem:$0x3FC1] =	sst s2  }
0x8f: {  	_ = 	snop  }
0x90: {  	s18 =	sld [smem:$0x3FC7];
	(tm) =	ssettm $0x1  }
0x91: {  	s19 =	sld [smem:$0x3FFB];
	_ =	sdelay $0x3  }
0x92: {  	_ =	strace s19  }
0x93: {  	s2 =	sld [smem:$0x3FFC];
	_ =	sdelay $0x3  }
0x94: {  	_ =	strace s2  }
0x95: {  	s2 =	sld [smem:$0x3FFD];
	_ =	sdelay $0x3  }
0x96: {  	_ =	strace s2  }
0x97: {  	_ =	strace $0x8FFFFFFF  }
0x98: {  	s20 =	sld [smem:$0x3FDB];
	_ =	sdelay $0x1  }
0x99: {  	s4 =	simm.s32 $_scs_section_size  }
0x9a: {  	s5 =	simm.s32 $_size__tile_overlayer_lowered;
	s6 =	simm.s32 $_tile_overlayer_lowered  }
0x9b: {  	s7 =	simm.s32 $0x1BFF;
	s21 =	sshll.u32 s6, $0x1;
	s4 =	sadd.s32 s4, s20  }
0x9c: {  	s22 =	simm.s32 $0x0;
	s5 =	sshll.u32 s5, $0x1;
	s6 =	sadd.s32 s21, s4  }
0x9d: {  	[timem:s22], [sflag:s7] =	dma.local [hbm:s6], s5  }
0x9e: {  	_ =	swait.ge [sflag:s7], s5  }
0x9f: {  	s5 =	ssub.s32 $0x0, s5;
	[sflag:s7] =	ssyncset.done $0x0  }
0xa0: {  	[sflag:s7] =	ssyncadd.s32 s5;
	_ =	sdelay $0x1  }
0xa1: {  	s23 =	simm.s32 $0x1B8B  }
0xa2: {  	_ =	swait.ge [sflag:s23], $0x1  }
0xa3: {  	[sflag:s23] =	ssyncset.done $0x0  }
0xa4: {  	[sflag:s23] =	ssyncadd.s32 $0xFFFFFFFF  }
0xa5: {  	s5 =	sld [smem:$0x0]  }
0xa6: {  	s6 =	sand.u32 $0xFFFFFFFE, s1  }
0xa7: {  	p0 =	sne.s32 s1, s6  }
0xa8: {  	s6 =	sshll.u32 @p0 s6, $0xE  }
0xa9: {  	s6 =	sadd.s32 @p0 $0x11B8D, s6;
	s7 =	sshll.u32 @p0 s5, $0x11  }
0xaa: {  	s6 =	sor.u32 @p0 s7, s6  }
0xab: {  	[sflag:s6] =	ssyncadd.remote.s32 @p0 $0x1;
	_ =	sdelay $0x1  }
0xac: {  	s6 =	simm.s32 @p0 $0x1B8D  }
0xad: {  	_ =	swait.eq @p0 [sflag:s6], $0x1  }
0xae: {  	[sflag:s6] =	ssyncadd.s32 @p0 $0xFFFFFFFF  }
0xaf: {  	s7 =	sshll.u32 @!p0 s1, $0xE  }
0xb0: {  	s7 =	sor.u32 @!p0 $0x4000, s7;
	s6 =	simm.s32 @!p0 $0x1B8D  }
0xb1: {  	s5 =	sshll.u32 @!p0 s5, $0x11;
	s7 =	sadd.s32 @!p0 $0x11B8D, s7;
	_ =	swait.eq @!p0 [sflag:s6], $0x1  }
0xb2: {  	s5 =	sor.u32 @!p0 s5, s7;
	[sflag:s6] =	ssyncadd.s32 @!p0 $0xFFFFFFFF  }
0xb3: {  	s25 =	simm.s32 $0x1B8E;
	s24 =	sld [smem:$0x3FFE];
	[sflag:s5] =	ssyncadd.remote.s32 @!p0 $0x1  }
0xb4: {  	s26 =	simm.s32 $execute0_lowered;
	[smem:$0x3FD2] =	sst s25  }
0xb5: {  	s6 =	sshll.u32 s26, $0x1;
	_ =	strace $0x80000049;
	[dreg:$0x1] =	wrdreg $0xFFFFFFFF  }
0xb6: {  	s28 =	simm.s32 $_size_execute0_lowered;
	s4 =	sadd.s32 s4, s6;
	[dreg:$0x0] =	wrdreg $0x0  }
0xb7: {  	s6 =	sshll.u32 s28, $0x1;
	[dreg:$0x2] =	wrdreg s4  }
0xb8: {  	[dreg:$0x3] =	wrdreg s6  }
0xb9: {  	[dreg:$0x4] =	wrdreg $0xC0  }
0xba: {  	_ =	task [dreg:s22], $0x5FFFF  }
0xbb: {  	[dreg:$0x1] =	wrdreg $0xFFFFFFFF  }
0xbc: {  	[dreg:$0x0] =	wrdreg $0x60  }
0xbd: {  	[dreg:$0x2] =	wrdreg s18  }
0xbe: {  	[dreg:$0x3] =	wrdreg s24  }
0xbf: {  	[dreg:$0x4] =	wrdreg $0xA  }
0xc0: {  	_ =	task.clear_ibuf [dreg:s22], $0x5FFFF;
	_ =	strace $0x90000049  }
0xc1: {  	s29 =	simm.s32 $0xA;
	_ =	strace $0x8000004B  }
0xc2: {  	_ =	swait.ge [sflag:s29], $0x1  }
0xc3: {  	[sflag:s29] =	ssyncadd.s32 $0xFFFFFFFF  }
0xc4: {  	_ =	strace $0x9000004B  }
0xc5: {  	_ =	sfence  }
0xc6: {  	s30 =	sld [smem:$0x0];
	_ =	sdelay $0x2  }
0xc7: {  	s31 =	sshll.u32 s1, $0xD;
	s1 =	sshrl.u32 s1, $0x2  }
0xc8: {  	s4 =	sand.u32 $0x4000, s31;
	s1 =	sadd.s32 s1, s30  }
0xc9: {  	s0 =	sor.u32 s4, s0;
	s1 =	sshll.u32 s1, $0x11  }
0xca: {  	s0 =	sor.u32 s1, s0  }
0xcb: {  	s0 =	sadd.s32 $0x8F2B, s0  }
0xcc: {  	[sflag:s0] =	ssyncadd.remote.s32 $0x1  }
0xcd: {  	_ =	sfence.sel $0xFFFF  }
0xce: {  	[dreg:$0x0] =	wrdreg $0xFFFFFFFF;
	(pc) =	sbr.abs _section_cstart, $3  }
0xcf: {  	[dreg:$0x1] =	wrdreg $0xFFFFFFFF  }
0xd0: {  	_ =	task.clear_ibuf [dreg:s22], $0x2FFFF;
	_ =	strace $0x9FFFFFFF  }
0xd1: {  	(tm) =	ssettm $0x7FFFFFFF  }
tec
execute0_lowered:
.L_overlay_start_1:
0x0: {  	(tag) =	ssettag $0x1  }
0x1: {  	s1 =	rddreg [dreg:$0x0]  }
0x2: {  	s4 =	rddreg [dreg:$0x1]  }
0x3: {  	s0 =	rddreg [dreg:$0x2]  }
0x4: {  	s3 =	simm.s32 $0x0;
	s5 =	srdreg.scid;
	s2 =	stileid.u32  }
0x5: {  	s11 =	simm.s32 $0x100;
	s12 =	simm.s32 $0x8400;
	s13 =	simm.s32 $0x180  }
0x6: {  	s14 =	simm.s32 $0xC400;
	s15 =	simm.s32 $0x200;
	s16 =	simm.s32 $0x10400  }
0x7: {  	s17 =	simm.s32 $0x1;
	s18 =	simm.s32 $0x2;
	s19 =	simm.s32 $0x0  }
0x8: {  	[smem:$0x7FF] =	sst s3;
	s5 =	sand.u32 $0x1, s5;
	s6 =	sshll.u32 s2, $0x8  }
0x9: {  	s7 =	smul.u32 $0x5000, s2;
	_ =	strace $0x8000004A;
	s8 =	ssub.s32 $0x2, s5  }
0xa: {  	s6 =	sadd.s32 s6, s4;
	s10 =	smul.u32 $0x2800, s5;
	s5 =	sshll.u32 s5, $0x7  }
0xb: {  	s9 =	sshrl.u32 s8, $0x1;
	s7 =	sadd.s32 s7, s4;
	s5 =	sadd.s32 s5, s6  }
0xc: {  	s30 =	ssub.s32 s8, s9;
	s31 =	sadd.s32 s10, s7;
	s5 =	sadd.s32 $0x191600, s5  }
0xd: {  	s7 =	simm.s32 $0x3;
	s8 =	simm.s32 $0x80;
	s9 =	simm.s32 $0x400  }
0xe: {  	s10 =	simm.s32 $0x4400;
	s4 =	smax.u32 s30, $0x1;
	s6 =	sadd.s32 $0x196600, s31  }
.LBB2_1:
0xf: {  	s20 =	sadd.s32 $0x0, s5  }
0x10: {  	[tilespmem:s3], [sflag:$0x3] =	stream.linear.gather [hbm4b:s20+s3], $0x280, $0x38;
	[tilespmem:$0x14400] =	vst v63  }
0x11: {  	_ =	swait.ge [sflag:s7], $0x280  }
0x12: {  	[sflag:s7] =	ssyncset.done $0x0  }
0x13: {  	[sflag:s7] =	ssyncadd.s32 $0xFFFFFD80  }
0x14: {  	[tilespmem:s9], [sflag:$0x1] =	stream.indirect.gather [hbm4b:s1+s8], $0x80, s3, s8, $0xb8;
	[tilespmem:$0x14400] =	vst v63  }
0x15: {  	_ = 	snop  }
0x16: {  	[tilespmem:s10], [sflag:$0x1] =	stream.indirect.gather [hbm4b:s1+s8], $0x80, s8, s8, $0xb8;
	[tilespmem:$0x14400] =	vst v63  }
0x17: {  	_ = 	snop  }
0x18: {  	[tilespmem:s12], [sflag:$0x1] =	stream.indirect.gather [hbm4b:s1+s8], $0x80, s11, s8, $0xb8;
	[tilespmem:$0x14400] =	vst v63  }
0x19: {  	_ = 	snop  }
0x1a: {  	[tilespmem:s14], [sflag:$0x1] =	stream.indirect.gather [hbm4b:s1+s8], $0x80, s13, s8, $0xb8;
	[tilespmem:$0x14400] =	vst v63  }
0x1b: {  	_ = 	snop  }
0x1c: {  	[tilespmem:s16], [sflag:$0x1] =	stream.indirect.gather [hbm4b:s1+s8], $0x80, s15, s8, $0xb8;
	[tilespmem:$0x14400] =	vst v63  }
0x1d: {  	_ =	swait.ge [sflag:s17], $0x4000  }
0x1e: {  	[sflag:s17] =	ssyncset.done $0x0  }
0x1f: {  	[sflag:s17] =	ssyncadd.s32 $0xFFFFC000  }
0x20: {  	_ =	swait.ge [sflag:s17], $0x4000  }
0x21: {  	[sflag:s17] =	ssyncset.done $0x0  }
0x22: {  	[sflag:s17] =	ssyncadd.s32 $0xFFFFC000  }
0x23: {  	_ =	swait.ge [sflag:s17], $0x4000  }
0x24: {  	[sflag:s17] =	ssyncset.done $0x0  }
0x25: {  	[sflag:s17] =	ssyncadd.s32 $0xFFFFC000  }
0x26: {  	_ =	swait.ge [sflag:s17], $0x4000  }
0x27: {  	[sflag:s17] =	ssyncset.done $0x0  }
0x28: {  	[sflag:s17] =	ssyncadd.s32 $0xFFFFC000  }
0x29: {  	_ =	swait.ge [sflag:s17], $0x4000  }
0x2a: {  	[sflag:s17] =	ssyncset.done $0x0  }
0x2b: {  	[sflag:s17] =	ssyncadd.s32 $0xFFFFC000  }
0x2c: {  	[hbm4b:s6+s3] =	stream.linear.scatter [tilespmem:s9], [sflag:$0x2], $0x14000, $0x38;
	[tilespmem:$0x14400] =	vst v63  }
0x2d: {  	s21 =	simm.s32 $0x1000;
	_ =	swait.ge [sflag:s18], $0x14000  }
0x2e: {  	s22 =	simm.s32 $0x2000;
	s20 =	sadd.s32 $0x50000, s6;
	[sflag:s18] =	ssyncset.done $0x0  }
.LBB2_2:
0x2f: {  	s23 =	sadd.s32 s21, s5  }
0x30: {  	[sflag:s18] =	ssyncadd.s32 $0xFFFEC000;
	s21 =	smov.u32 s22;
	s24 =	sadd.s32 $0x1000, s22  }
0x31: {  	[tilespmem:s3], [sflag:$0x3] =	stream.linear.gather [hbm4b:s23+s3], $0x280, $0x38;
	[tilespmem:$0x14400] =	vst v63  }
0x32: {  	p0 =	sne.s32 s22, $0x4000;
	_ =	swait.ge [sflag:s7], $0x280  }
0x33: {  	[sflag:s7] =	ssyncset.done $0x0  }
0x34: {  	[sflag:s7] =	ssyncadd.s32 $0xFFFFFD80  }
0x35: {  	[tilespmem:s9], [sflag:$0x1] =	stream.indirect.gather [hbm4b:s1+s8], $0x80, s3, s8, $0xb8;
	[tilespmem:$0x14400] =	vst v63  }
0x36: {  	_ = 	snop  }
0x37: {  	[tilespmem:s10], [sflag:$0x1] =	stream.indirect.gather [hbm4b:s1+s8], $0x80, s8, s8, $0xb8;
	[tilespmem:$0x14400] =	vst v63  }
0x38: {  	_ = 	snop  }
0x39: {  	[tilespmem:s12], [sflag:$0x1] =	stream.indirect.gather [hbm4b:s1+s8], $0x80, s11, s8, $0xb8;
	[tilespmem:$0x14400] =	vst v63  }
0x3a: {  	_ = 	snop  }
0x3b: {  	[tilespmem:s14], [sflag:$0x1] =	stream.indirect.gather [hbm4b:s1+s8], $0x80, s13, s8, $0xb8;
	[tilespmem:$0x14400] =	vst v63  }
0x3c: {  	_ = 	snop  }
0x3d: {  	[tilespmem:s16], [sflag:$0x1] =	stream.indirect.gather [hbm4b:s1+s8], $0x80, s15, s8, $0xb8;
	[tilespmem:$0x14400] =	vst v63  }
0x3e: {  	_ =	swait.ge [sflag:s17], $0x4000  }
0x3f: {  	[sflag:s17] =	ssyncset.done $0x0  }
0x40: {  	[sflag:s17] =	ssyncadd.s32 $0xFFFFC000  }
0x41: {  	_ =	swait.ge [sflag:s17], $0x4000  }
0x42: {  	[sflag:s17] =	ssyncset.done $0x0  }
0x43: {  	[sflag:s17] =	ssyncadd.s32 $0xFFFFC000  }
0x44: {  	_ =	swait.ge [sflag:s17], $0x4000  }
0x45: {  	[sflag:s17] =	ssyncset.done $0x0  }
0x46: {  	[sflag:s17] =	ssyncadd.s32 $0xFFFFC000  }
0x47: {  	_ =	swait.ge [sflag:s17], $0x4000  }
0x48: {  	[sflag:s17] =	ssyncset.done $0x0  }
0x49: {  	[sflag:s17] =	ssyncadd.s32 $0xFFFFC000  }
0x4a: {  	_ =	swait.ge [sflag:s17], $0x4000  }
.Ltmp0:
0x4b: {  	[sflag:s17] =	ssyncset.done $0x0;
	(pc) =	sbr.rel @p0 .LBB2_2-.Ltmp0, $4  }
0x4c: {  	[sflag:s17] =	ssyncadd.s32 $0xFFFFC000  }
0x4d: {  	[hbm4b:s20+s3] =	stream.linear.scatter [tilespmem:s9], [sflag:$0x2], $0x14000, $0x38;
	[tilespmem:$0x14400] =	vst v63  }
0x4e: {  	_ =	swait.ge [sflag:s18], $0x14000  }
0x4f: {  	s22 =	smov.u32 s24;
	s20 =	sadd.s32 $0x50000, s20;
	[sflag:s18] =	ssyncset.done $0x0  }
0x50: {  	s21 =	sadd.s32 s21, s5;
	[sflag:s18] =	ssyncadd.s32 $0xFFFEC000  }
0x51: {  	[tilespmem:s3], [sflag:$0x3] =	stream.linear.gather [hbm4b:s21+s3], $0x280, $0x38;
	[tilespmem:$0x14400] =	vst v63  }
0x52: {  	_ =	swait.ge [sflag:s7], $0x280  }
0x53: {  	[sflag:s7] =	ssyncset.done $0x0  }
0x54: {  	[sflag:s7] =	ssyncadd.s32 $0xFFFFFD80  }
0x55: {  	[tilespmem:s9], [sflag:$0x1] =	stream.indirect.gather [hbm4b:s1+s8], $0x80, s3, s8, $0xb8;
	[tilespmem:$0x14400] =	vst v63  }
0x56: {  	_ = 	snop  }
0x57: {  	[tilespmem:s10], [sflag:$0x1] =	stream.indirect.gather [hbm4b:s1+s8], $0x80, s8, s8, $0xb8;
	[tilespmem:$0x14400] =	vst v63  }
0x58: {  	_ = 	snop  }
0x59: {  	[tilespmem:s12], [sflag:$0x1] =	stream.indirect.gather [hbm4b:s1+s8], $0x80, s11, s8, $0xb8;
	[tilespmem:$0x14400] =	vst v63  }
0x5a: {  	_ = 	snop  }
0x5b: {  	[tilespmem:s14], [sflag:$0x1] =	stream.indirect.gather [hbm4b:s1+s8], $0x80, s13, s8, $0xb8;
	[tilespmem:$0x14400] =	vst v63  }
0x5c: {  	_ = 	snop  }
0x5d: {  	[tilespmem:s16], [sflag:$0x1] =	stream.indirect.gather [hbm4b:s1+s8], $0x80, s15, s8, $0xb8;
	[tilespmem:$0x14400] =	vst v63  }
0x5e: {  	_ =	swait.ge [sflag:s17], $0x4000  }
0x5f: {  	[sflag:s17] =	ssyncset.done $0x0  }
0x60: {  	[sflag:s17] =	ssyncadd.s32 $0xFFFFC000  }
0x61: {  	_ =	swait.ge [sflag:s17], $0x4000  }
0x62: {  	[sflag:s17] =	ssyncset.done $0x0  }
0x63: {  	[sflag:s17] =	ssyncadd.s32 $0xFFFFC000  }
0x64: {  	_ =	swait.ge [sflag:s17], $0x4000  }
0x65: {  	[sflag:s17] =	ssyncset.done $0x0  }
0x66: {  	[sflag:s17] =	ssyncadd.s32 $0xFFFFC000  }
0x67: {  	_ =	swait.ge [sflag:s17], $0x4000  }
0x68: {  	[sflag:s17] =	ssyncset.done $0x0  }
0x69: {  	[sflag:s17] =	ssyncadd.s32 $0xFFFFC000  }
0x6a: {  	s19 =	sadd.s32 $0x1, s19;
	_ =	swait.ge [sflag:s17], $0x4000  }
0x6b: {  	p0 =	sne.s32 s19, s4;
	[sflag:s17] =	ssyncset.done $0x0  }
.Ltmp1:
0x6c: {  	[sflag:s17] =	ssyncadd.s32 $0xFFFFC000;
	(pc) =	sbr.rel @p0 .LBB2_1-.Ltmp1, $4  }
0x6d: {  	[hbm4b:s20+s3] =	stream.linear.scatter [tilespmem:s9], [sflag:$0x2], $0x14000, $0x38;
	[tilespmem:$0x14400] =	vst v63  }
0x6e: {  	_ =	swait.ge [sflag:s18], $0x14000  }
0x6f: {  	[sflag:s18] =	ssyncset.done $0x0  }
0x70: {  	[sflag:s18] =	ssyncadd.s32 $0xFFFEC000  }
0x71: {  	_ =	sfence.sel $0x180000  }
0x72: {  	[bflag:$0x0] =	sbarrier.arrive $0xFFFF  }
0x73: {  	p0 =	sne.s32 s2, $0x0;
	_ =	strace $0x9000004A  }
0x74: {  	s0 =	sadd.s32 @!p0 $0x100000, s0;
	[bflag:$0x2] =	sbarrier.arrive $0xFFFF  }
0x75: {  	[sflag:s0] =	ssyncadd.tile.s32 @!p0 $0x1;
	_ =	shalt  }
.Lfunc_end2:
_tile_overlayer_lowered:
.L_overlay_start_2:
0x76: {  	(tag) =	ssettag $0x2  }
0x77: {  	s0 =	rddreg [dreg:$0x0];
	s2 =	stileid.u32  }
0x78: {  	s1 =	rddreg [dreg:$0x1];
	p0 =	sne.s32 s2, $0x0  }
0x79: {  	s3 =	rddreg [dreg:$0x2];
	[bflag:$0x3] =	sbarrier.arrive $0xFFFF;
	s2 =	simm.s32 @!p0 $0x1C02  }
0x7a: {  	[timem:s3], [sflag:s2] =	dma.local @!p0 [hbm:s0], s1  }
0x7b: {  	s0 =	simm.s32 @!p0 $0x2  }
0x7c: {  	_ =	swait.ge @!p0 [sflag:s0], s1  }
0x7d: {  	s1 =	ssub.s32 @!p0 $0x0, s1;
	[sflag:s0] =	ssyncset.done @!p0 $0x0  }
0x7e: {  	[sflag:s0] =	ssyncadd.s32 @!p0 s1  }
0x7f: {  	[bflag:$0x3] =	sbarrier.arrive $0xFFFF  }
0x80: {  	_ =	shalt  }

</sc_bundles>
